<compile_context>
chip_gen: v7x
topology: tpu7x:2x2x1
jax: 0.10.2.dev20260603
libtpu: 0.0.44.dev20260713+nightly
codegen_flags: <defaults>
</compile_context>

<pallas_src>
import jax
import jax.numpy as jnp
from jax import lax
from jax.experimental import pallas as pl
from jax.experimental.pallas import tpu as pltpu
from jax.experimental.pallas import tpu_sc as plsc

N, K, H, W = 4, 16, 384, 384
C, P = 4, 100000
L = 16

_NC, _NS = 2, 16
_NWORK = _NC * _NS
_NPAIR = 2
_WPP = _NWORK // _NPAIR
_ROWS = N * H
_RPW = _ROWS // _WPP
_NCHUNK = W // L
_PPAD = 100096


def _sc_body(frag_hbm, alpha_hbm, tbl_hbm, out_hbm,
             tbl_v, frag_v, alpha_v, out_v,
             sem_f0, sem_f1, sem_a0, sem_a1, sem_o0, sem_o1):
    wid = lax.axis_index("s") * _NC + lax.axis_index("c")
    pair = wid % _NPAIR
    slot = wid // _NPAIR
    base = slot * _RPW

    pltpu.sync_copy(tbl_hbm.at[pl.ds(pair * _PPAD, _PPAD)], tbl_v)

    def issue_in(r, b, semf, sema):
        n = r // H
        h = r % H
        pltpu.async_copy(frag_hbm.at[n, :, h, :], frag_v.at[b], semf)
        pltpu.async_copy(alpha_hbm.at[n, :, h, :], alpha_v.at[b], sema)

    def wait_in(b, semf, sema):
        pltpu.make_async_copy(frag_hbm.at[0, :, 0, :],
                              frag_v.at[b], semf).wait()
        pltpu.make_async_copy(alpha_hbm.at[0, :, 0, :],
                              alpha_v.at[b], sema).wait()

    def wait_out(b, semo):
        pltpu.make_async_copy(out_v.at[b, 0], out_hbm.at[0, 0, 0, :],
                              semo).wait()
        pltpu.make_async_copy(out_v.at[b, 1], out_hbm.at[0, 0, 0, :],
                              semo).wait()

    def compute(r, b, semo):
        def col_body(j, carry):
            f = frag_v[b, 0, pl.ds(j * L, L)]
            a = alpha_v[b, 0, pl.ds(j * L, L)]
            out_v[b, 0, pl.ds(j * L, L)] = a
            out_v[b, 1, pl.ds(j * L, L)] = plsc.bitcast(f, jnp.float32)
            return carry

        lax.fori_loop(0, _NCHUNK, col_body, 0, unroll=False)
        n = r // H
        h = r % H
        pltpu.async_copy(out_v.at[b, 0], out_hbm.at[n, 2 * pair, h, :], semo)
        pltpu.async_copy(out_v.at[b, 1], out_hbm.at[n, 2 * pair + 1, h, :],
                         semo)

    issue_in(base, 0, sem_f0, sem_a0)

    def pair_body(i2, carry):
        r0 = base + 2 * i2
        issue_in(r0 + 1, 1, sem_f1, sem_a1)
        wait_in(0, sem_f0, sem_a0)

        @pl.when(i2 > 0)
        def _():
            wait_out(0, sem_o0)
        compute(r0, 0, sem_o0)

        @pl.when(i2 < _RPW // 2 - 1)
        def _():
            issue_in(r0 + 2, 0, sem_f0, sem_a0)
        wait_in(1, sem_f1, sem_a1)

        @pl.when(i2 > 0)
        def _():
            wait_out(1, sem_o1)
        compute(r0 + 1, 1, sem_o1)
        return carry

    lax.fori_loop(0, _RPW // 2, pair_body, 0, unroll=False)
    wait_out(0, sem_o0)
    wait_out(1, sem_o1)


@jax.jit
def _run(frag4, alpha4, tblpacked):
    mesh = plsc.VectorSubcoreMesh(core_axis_name="c", subcore_axis_name="s")
    f = pl.kernel(
        _sc_body,
        out_type=jax.ShapeDtypeStruct((N, C, H, W), jnp.float32),
        mesh=mesh,
        scratch_types=[
            pltpu.VMEM((_PPAD,), jnp.int32),
            pltpu.VMEM((2, K, W), jnp.int32),
            pltpu.VMEM((2, K, W), jnp.float32),
            pltpu.VMEM((2, 2, W), jnp.float32),
            pltpu.SemaphoreType.DMA,
            pltpu.SemaphoreType.DMA,
            pltpu.SemaphoreType.DMA,
            pltpu.SemaphoreType.DMA,
            pltpu.SemaphoreType.DMA,
            pltpu.SemaphoreType.DMA,
        ],
        compiler_params=pltpu.CompilerParams(needs_layout_passes=False,
                                             skip_device_barrier=True),
    )
    return f(frag4, alpha4, tblpacked)


def kernel(fragments, alphas, ptclds):
    frag4 = fragments.astype(jnp.int32)
    ptu = jax.lax.bitcast_convert_type(
        ptclds.astype(jnp.bfloat16), jnp.uint16).astype(jnp.uint32)
    packed = ptu[::2] | (ptu[1::2] << 16)
    packed = jnp.pad(packed, ((0, 0), (0, _PPAD - P)))
    tblpacked = jax.lax.bitcast_convert_type(
        packed, jnp.int32).reshape(_NPAIR * _PPAD)
    return _run(frag4, alphas, tblpacked)

# --- scband reference (transcript-rebuilt; emitter-appended) ---
"""Pipeline reference for scband-alpha-compositor-53592601919501 (READ-ONLY COPY).

The authoritative reference and input builder live on the scoring server;
editing this copy changes nothing except your own understanding.
"""

import jax, jax.numpy as jnp
import numpy as np

N, K, H, W = 4, 16, 384, 384
C, P = 4, 100000

def setup_inputs(seed: int = 0) -> dict:
    key = jax.random.key(seed)
    k1, k2, k3 = jax.random.split(key, 3)
    fragments = jax.random.randint(k1, (N, K, H, W), 0, P, dtype=jnp.int64)
    alphas = jax.random.uniform(k2, (N, K, H, W), dtype=jnp.float32)
    ptclds = jax.random.normal(k3, (C, P), dtype=jnp.float32)
    return {"fragments": fragments, "alphas": alphas, "ptclds": ptclds}

def reference(fragments, alphas, ptclds):
    # alpha_composite: for each pixel, front-to-back over K points:
    #   weight_k = alpha_k * prod_{j<k} (1 - alpha_j)
    #   image    = sum_k weight_k * ptclds[:, fragments_k]
    valid = (fragments >= 0).astype(alphas.dtype)          # (N,K,H,W)
    a = alphas * valid                                      # invalid points contribute 0
    one_minus = 1.0 - a
    cum = jnp.cumprod(one_minus, axis=1)                    # (N,K,H,W)
    t_prev = jnp.concatenate([jnp.ones_like(cum[:, :1]), cum[:, :-1]], axis=1)
    w = a * t_prev                                          # (N,K,H,W)
    idx = jnp.clip(fragments, 0, None)                      # safe gather index
    feats = jnp.take(ptclds, idx, axis=1)                   # (C,N,K,H,W)
    img = jnp.sum(w[None, ...] * feats, axis=2)             # (C,N,H,W)
    img = jnp.transpose(img, (1, 0, 2, 3))                  # (N,C,H,W)
    return img

if __name__ == "__main__":
    import jax
    _d = setup_inputs()
    print(jax.jit(kernel)(*tuple(_d.values())))

</pallas_src>

<mosaic_0001>
#map = affine_map<(d0, d1) -> (0, 0, 0, 0)>
#map1 = affine_map<(d0, d1) -> (0)>
module attributes {stable_mosaic.version = 14 : i64} {
  func.func @_sc_body(%arg0: i32, %arg1: i32, %arg2: memref<4x16x384x384xi32, #tpu.memory_space<hbm>>, %arg3: memref<4x16x384x384xf32, #tpu.memory_space<hbm>>, %arg4: memref<200192xi32, #tpu.memory_space<hbm>>, %arg5: memref<4x4x384x384xf32, #tpu.memory_space<hbm>>, %arg6: memref<100096xi32, #tpu.memory_space<vmem>>, %arg7: memref<2x16x384xi32, #tpu.memory_space<vmem>>, %arg8: memref<2x16x384xf32, #tpu.memory_space<vmem>>, %arg9: memref<2x2x384xf32, #tpu.memory_space<vmem>>, %arg10: memref<!tpu.dma_semaphore, #tpu.memory_space<semaphore_mem>>, %arg11: memref<!tpu.dma_semaphore, #tpu.memory_space<semaphore_mem>>, %arg12: memref<!tpu.dma_semaphore, #tpu.memory_space<semaphore_mem>>, %arg13: memref<!tpu.dma_semaphore, #tpu.memory_space<semaphore_mem>>, %arg14: memref<!tpu.dma_semaphore, #tpu.memory_space<semaphore_mem>>, %arg15: memref<!tpu.dma_semaphore, #tpu.memory_space<semaphore_mem>>) attributes {dimension_semantics = [#tpu.dimension_semantics<core_parallel>, #tpu.dimension_semantics<subcore_parallel>], iteration_bounds = array<i64: 2, 16>, scalar_prefetch = 0 : i64, scratch_operands = 10 : i64, tpu.core_type = #tpu.core_type<sc_vector_subcore>, window_params = [{transform_indices = #map}, {transform_indices = #map}, {transform_indices = #map1}, {transform_indices = #map}]} {
    %mul3A = arith.constant 2 : i32
    %mul3A_0 = arith.muli %arg1, %mul3A : i32
    %add3A = arith.addi %mul3A_0, %arg0 : i32
    %jit3A = arith.constant 2 : i32
    %eq3A = arith.constant 0 : i32
    %eq3A_1 = arith.cmpi eq, %jit3A, %eq3A : i32
    %jit3A_2 = arith.constant 1 : i32
    %select_n3A = arith.select %eq3A_1, %jit3A_2, %jit3A : i32
    %rem3A = arith.remsi %add3A, %select_n3A : i32
    %ne3A = arith.constant 0 : i32
    %ne3A_3 = arith.cmpi ne, %rem3A, %ne3A : i32
    %lt3A = arith.constant 0 : i32
    %lt3A_4 = arith.cmpi slt, %rem3A, %lt3A : i32
    %lt3A_5 = arith.constant 0 : i32
    %lt3A_6 = arith.cmpi slt, %select_n3A, %lt3A_5 : i32
    %ne3A_7 = arith.xori %lt3A_4, %lt3A_6 : i1
    %and3A = arith.andi %ne3A_7, %ne3A_3 : i1
    %add3A_8 = arith.addi %rem3A, %select_n3A : i32
    %select_n3A_9 = arith.select %and3A, %add3A_8, %rem3A : i32
    %jit3A_10 = arith.constant 2 : i32
    %div3A = arith.divsi %add3A, %jit3A_10 : i32
    %sign3A = arith.constant 0 : i32
    %sign3A_11 = arith.cmpi sgt, %add3A, %sign3A : i32
    %sign3A_12 = arith.extui %sign3A_11 : i1 to i32
    %sign3A_13 = arith.constant 0 : i32
    %sign3A_14 = arith.cmpi slt, %add3A, %sign3A_13 : i32
    %sign3A_15 = arith.extui %sign3A_14 : i1 to i32
    %sign3A_16 = arith.subi %sign3A_12, %sign3A_15 : i32
    %sign3A_17 = arith.constant 0 : i32
    %sign3A_18 = arith.cmpi sgt, %jit3A_10, %sign3A_17 : i32
    %sign3A_19 = arith.extui %sign3A_18 : i1 to i32
    %sign3A_20 = arith.constant 0 : i32
    %sign3A_21 = arith.cmpi slt, %jit3A_10, %sign3A_20 : i32
    %sign3A_22 = arith.extui %sign3A_21 : i1 to i32
    %sign3A_23 = arith.subi %sign3A_19, %sign3A_22 : i32
    %ne3A_24 = arith.cmpi ne, %sign3A_16, %sign3A_23 : i32
    %rem3A_25 = arith.remsi %add3A, %jit3A_10 : i32
    %ne3A_26 = arith.constant 0 : i32
    %ne3A_27 = arith.cmpi ne, %rem3A_25, %ne3A_26 : i32
    %and3A_28 = arith.andi %ne3A_24, %ne3A_27 : i1
    %sub3A = arith.constant 1 : i32
    %sub3A_29 = arith.subi %div3A, %sub3A : i32
    %select_n3A_30 = arith.select %and3A_28, %sub3A_29, %div3A : i32
    %mul3A_31 = arith.constant 96 : i32
    %mul3A_32 = arith.muli %select_n3A_30, %mul3A_31 : i32
    %mul3A_33 = arith.constant 100096 : i32
    %mul3A_34 = arith.muli %select_n3A_9, %mul3A_33 : i32
    "tpu.region"() ({
      %run_scoped3A = tpu.sem_alloc : memref<!tpu.dma_semaphore, #tpu.memory_space<semaphore_mem>>
      %dma_start3A_180 = tpu.memref_slice %arg4[%mul3A_34] : memref<200192xi32, #tpu.memory_space<hbm>> -> memref<100096xi32, #tpu.memory_space<hbm>>
      %dma_start3A_181 = tpu.memref_slice %arg4[%mul3A_34] : memref<200192xi32, #tpu.memory_space<hbm>> -> memref<100096xi32, #tpu.memory_space<hbm>>
      tpu.enqueue_dma source(%dma_start3A_181 : memref<100096xi32, #tpu.memory_space<hbm>>) target(%arg6 : memref<100096xi32, #tpu.memory_space<vmem>>) target_semaphore(%run_scoped3A : memref<!tpu.dma_semaphore, #tpu.memory_space<semaphore_mem>>)
      %dma_wait3A_182 = tpu.memref_slice %arg4[%mul3A_34] : memref<200192xi32, #tpu.memory_space<hbm>> -> memref<100096xi32, #tpu.memory_space<hbm>>
      %dma_wait3A_183 = tpu.memref_slice %arg4[%mul3A_34] : memref<200192xi32, #tpu.memory_space<hbm>> -> memref<100096xi32, #tpu.memory_space<hbm>>
      tpu.wait_dma2 semaphore(%run_scoped3A : memref<!tpu.dma_semaphore, #tpu.memory_space<semaphore_mem>>) src(%dma_wait3A_183 : memref<100096xi32, #tpu.memory_space<hbm>>) dst(%arg6 : memref<100096xi32, #tpu.memory_space<vmem>>)
      tpu.yield
    }) : () -> ()
    %jit3A_35 = arith.constant 384 : i32
    %div3A_36 = arith.divsi %mul3A_32, %jit3A_35 : i32
    %sign3A_37 = arith.constant 0 : i32
    %sign3A_38 = arith.cmpi sgt, %mul3A_32, %sign3A_37 : i32
    %sign3A_39 = arith.extui %sign3A_38 : i1 to i32
    %sign3A_40 = arith.constant 0 : i32
    %sign3A_41 = arith.cmpi slt, %mul3A_32, %sign3A_40 : i32
    %sign3A_42 = arith.extui %sign3A_41 : i1 to i32
    %sign3A_43 = arith.subi %sign3A_39, %sign3A_42 : i32
    %sign3A_44 = arith.constant 0 : i32
    %sign3A_45 = arith.cmpi sgt, %jit3A_35, %sign3A_44 : i32
    %sign3A_46 = arith.extui %sign3A_45 : i1 to i32
    %sign3A_47 = arith.constant 0 : i32
    %sign3A_48 = arith.cmpi slt, %jit3A_35, %sign3A_47 : i32
    %sign3A_49 = arith.extui %sign3A_48 : i1 to i32
    %sign3A_50 = arith.subi %sign3A_46, %sign3A_49 : i32
    %ne3A_51 = arith.cmpi ne, %sign3A_43, %sign3A_50 : i32
    %rem3A_52 = arith.remsi %mul3A_32, %jit3A_35 : i32
    %ne3A_53 = arith.constant 0 : i32
    %ne3A_54 = arith.cmpi ne, %rem3A_52, %ne3A_53 : i32
    %and3A_55 = arith.andi %ne3A_51, %ne3A_54 : i1
    %sub3A_56 = arith.constant 1 : i32
    %sub3A_57 = arith.subi %div3A_36, %sub3A_56 : i32
    %select_n3A_58 = arith.select %and3A_55, %sub3A_57, %div3A_36 : i32
    %jit3A_59 = arith.constant 384 : i32
    %eq3A_60 = arith.constant 0 : i32
    %eq3A_61 = arith.cmpi eq, %jit3A_59, %eq3A_60 : i32
    %jit3A_62 = arith.constant 1 : i32
    %select_n3A_63 = arith.select %eq3A_61, %jit3A_62, %jit3A_59 : i32
    %rem3A_64 = arith.remsi %mul3A_32, %select_n3A_63 : i32
    %ne3A_65 = arith.constant 0 : i32
    %ne3A_66 = arith.cmpi ne, %rem3A_64, %ne3A_65 : i32
    %lt3A_67 = arith.constant 0 : i32
    %lt3A_68 = arith.cmpi slt, %rem3A_64, %lt3A_67 : i32
    %lt3A_69 = arith.constant 0 : i32
    %lt3A_70 = arith.cmpi slt, %select_n3A_63, %lt3A_69 : i32
    %ne3A_71 = arith.xori %lt3A_68, %lt3A_70 : i1
    %and3A_72 = arith.andi %ne3A_71, %ne3A_66 : i1
    %add3A_73 = arith.addi %rem3A_64, %select_n3A_63 : i32
    %select_n3A_74 = arith.select %and3A_72, %add3A_73, %rem3A_64 : i32
    %dma_start3A = arith.constant 0 : i32
    %dma_start3A_75 = arith.constant 0 : i32
    %dma_start3A_76 = arith.constant 0 : i32
    %dma_start3A_77 = tpu.memref_slice %arg7[%dma_start3A, %dma_start3A_75, %dma_start3A_76] : memref<2x16x384xi32, #tpu.memory_space<vmem>> -> memref<1x16x384xi32, #tpu.memory_space<vmem>>
    %dma_start3A_78 = tpu.memref_squeeze %dma_start3A_77 : memref<1x16x384xi32, #tpu.memory_space<vmem>> -> memref<16x384xi32, #tpu.memory_space<vmem>>
    %dma_start3A_79 = arith.constant 0 : i32
    %dma_start3A_80 = arith.constant 0 : i32
    %dma_start3A_81 = tpu.memref_slice %arg2[%select_n3A_58, %dma_start3A_79, %select_n3A_74, %dma_start3A_80] : memref<4x16x384x384xi32, #tpu.memory_space<hbm>> -> memref<1x16x1x384xi32, #tpu.memory_space<hbm>>
    %dma_start3A_82 = tpu.memref_squeeze %dma_start3A_81 : memref<1x16x1x384xi32, #tpu.memory_space<hbm>> -> memref<16x384xi32, #tpu.memory_space<hbm>>
    %dma_start3A_83 = arith.constant 0 : i32
    %dma_start3A_84 = arith.constant 0 : i32
    %dma_start3A_85 = tpu.memref_slice %arg7[%dma_start3A, %dma_start3A_83, %dma_start3A_84] : memref<2x16x384xi32, #tpu.memory_space<vmem>> -> memref<1x16x384xi32, #tpu.memory_space<vmem>>
    %dma_start3A_86 = tpu.memref_squeeze %dma_start3A_85 : memref<1x16x384xi32, #tpu.memory_space<vmem>> -> memref<16x384xi32, #tpu.memory_space<vmem>>
    %dma_start3A_87 = arith.constant 0 : i32
    %dma_start3A_88 = arith.constant 0 : i32
    %dma_start3A_89 = tpu.memref_slice %arg2[%select_n3A_58, %dma_start3A_87, %select_n3A_74, %dma_start3A_88] : memref<4x16x384x384xi32, #tpu.memory_space<hbm>> -> memref<1x16x1x384xi32, #tpu.memory_space<hbm>>
    %dma_start3A_90 = tpu.memref_squeeze %dma_start3A_89 : memref<1x16x1x384xi32, #tpu.memory_space<hbm>> -> memref<16x384xi32, #tpu.memory_space<hbm>>
    tpu.enqueue_dma source(%dma_start3A_90 : memref<16x384xi32, #tpu.memory_space<hbm>>) target(%dma_start3A_86 : memref<16x384xi32, #tpu.memory_space<vmem>>) target_semaphore(%arg10 : memref<!tpu.dma_semaphore, #tpu.memory_space<semaphore_mem>>)
    %dma_start3A_91 = arith.constant 0 : i32
    %dma_start3A_92 = arith.constant 0 : i32
    %dma_start3A_93 = arith.constant 0 : i32
    %dma_start3A_94 = tpu.memref_slice %arg8[%dma_start3A_91, %dma_start3A_92, %dma_start3A_93] : memref<2x16x384xf32, #tpu.memory_space<vmem>> -> memref<1x16x384xf32, #tpu.memory_space<vmem>>
    %dma_start3A_95 = tpu.memref_squeeze %dma_start3A_94 : memref<1x16x384xf32, #tpu.memory_space<vmem>> -> memref<16x384xf32, #tpu.memory_space<vmem>>
    %dma_start3A_96 = arith.constant 0 : i32
    %dma_start3A_97 = arith.constant 0 : i32
    %dma_start3A_98 = tpu.memref_slice %arg3[%select_n3A_58, %dma_start3A_96, %select_n3A_74, %dma_start3A_97] : memref<4x16x384x384xf32, #tpu.memory_space<hbm>> -> memref<1x16x1x384xf32, #tpu.memory_space<hbm>>
    %dma_start3A_99 = tpu.memref_squeeze %dma_start3A_98 : memref<1x16x1x384xf32, #tpu.memory_space<hbm>> -> memref<16x384xf32, #tpu.memory_space<hbm>>
    %dma_start3A_100 = arith.constant 0 : i32
    %dma_start3A_101 = arith.constant 0 : i32
    %dma_start3A_102 = tpu.memref_slice %arg8[%dma_start3A_91, %dma_start3A_100, %dma_start3A_101] : memref<2x16x384xf32, #tpu.memory_space<vmem>> -> memref<1x16x384xf32, #tpu.memory_space<vmem>>
    %dma_start3A_103 = tpu.memref_squeeze %dma_start3A_102 : memref<1x16x384xf32, #tpu.memory_space<vmem>> -> memref<16x384xf32, #tpu.memory_space<vmem>>
    %dma_start3A_104 = arith.constant 0 : i32
    %dma_start3A_105 = arith.constant 0 : i32
    %dma_start3A_106 = tpu.memref_slice %arg3[%select_n3A_58, %dma_start3A_104, %select_n3A_74, %dma_start3A_105] : memref<4x16x384x384xf32, #tpu.memory_space<hbm>> -> memref<1x16x1x384xf32, #tpu.memory_space<hbm>>
    %dma_start3A_107 = tpu.memref_squeeze %dma_start3A_106 : memref<1x16x1x384xf32, #tpu.memory_space<hbm>> -> memref<16x384xf32, #tpu.memory_space<hbm>>
    tpu.enqueue_dma source(%dma_start3A_107 : memref<16x384xf32, #tpu.memory_space<hbm>>) target(%dma_start3A_103 : memref<16x384xf32, #tpu.memory_space<vmem>>) target_semaphore(%arg12 : memref<!tpu.dma_semaphore, #tpu.memory_space<semaphore_mem>>)
    %scan3A = arith.constant 0 : i32
    %scan3A_108 = arith.constant 0 : i32
    %scan3A_109 = arith.constant 48 : i32
    %scan3A_110 = arith.addi %scan3A_108, %scan3A_109 : i32
    %scan3A_111 = arith.constant 1 : i32
    scf.for %scan3A_180 = %scan3A_108 to %scan3A_110 step %scan3A_111  : i32 {
      %mul3A_181 = arith.constant 2 : i32
      %mul3A_182 = arith.muli %mul3A_181, %scan3A_180 : i32
      %add3A_183 = arith.addi %mul3A_32, %mul3A_182 : i32
      %add3A_184 = arith.constant 1 : i32
      %add3A_185 = arith.addi %add3A_183, %add3A_184 : i32
      %jit3A_186 = arith.constant 384 : i32
      %div3A_187 = arith.divsi %add3A_185, %jit3A_186 : i32
      %sign3A_188 = arith.constant 0 : i32
      %sign3A_189 = arith.cmpi sgt, %add3A_185, %sign3A_188 : i32
      %sign3A_190 = arith.extui %sign3A_189 : i1 to i32
      %sign3A_191 = arith.constant 0 : i32
      %sign3A_192 = arith.cmpi slt, %add3A_185, %sign3A_191 : i32
      %sign3A_193 = arith.extui %sign3A_192 : i1 to i32
      %sign3A_194 = arith.subi %sign3A_190, %sign3A_193 : i32
      %sign3A_195 = arith.constant 0 : i32
      %sign3A_196 = arith.cmpi sgt, %jit3A_186, %sign3A_195 : i32
      %sign3A_197 = arith.extui %sign3A_196 : i1 to i32
      %sign3A_198 = arith.constant 0 : i32
      %sign3A_199 = arith.cmpi slt, %jit3A_186, %sign3A_198 : i32
      %sign3A_200 = arith.extui %sign3A_199 : i1 to i32
      %sign3A_201 = arith.subi %sign3A_197, %sign3A_200 : i32
      %ne3A_202 = arith.cmpi ne, %sign3A_194, %sign3A_201 : i32
      %rem3A_203 = arith.remsi %add3A_185, %jit3A_186 : i32
      %ne3A_204 = arith.constant 0 : i32
      %ne3A_205 = arith.cmpi ne, %rem3A_203, %ne3A_204 : i32
      %and3A_206 = arith.andi %ne3A_202, %ne3A_205 : i1
      %sub3A_207 = arith.constant 1 : i32
      %sub3A_208 = arith.subi %div3A_187, %sub3A_207 : i32
      %select_n3A_209 = arith.select %and3A_206, %sub3A_208, %div3A_187 : i32
      %jit3A_210 = arith.constant 384 : i32
      %eq3A_211 = arith.constant 0 : i32
      %eq3A_212 = arith.cmpi eq, %jit3A_210, %eq3A_211 : i32
      %jit3A_213 = arith.constant 1 : i32
      %select_n3A_214 = arith.select %eq3A_212, %jit3A_213, %jit3A_210 : i32
      %rem3A_215 = arith.remsi %add3A_185, %select_n3A_214 : i32
      %ne3A_216 = arith.constant 0 : i32
      %ne3A_217 = arith.cmpi ne, %rem3A_215, %ne3A_216 : i32
      %lt3A_218 = arith.constant 0 : i32
      %lt3A_219 = arith.cmpi slt, %rem3A_215, %lt3A_218 : i32
      %lt3A_220 = arith.constant 0 : i32
      %lt3A_221 = arith.cmpi slt, %select_n3A_214, %lt3A_220 : i32
      %ne3A_222 = arith.xori %lt3A_219, %lt3A_221 : i1
      %and3A_223 = arith.andi %ne3A_222, %ne3A_217 : i1
      %add3A_224 = arith.addi %rem3A_215, %select_n3A_214 : i32
      %select_n3A_225 = arith.select %and3A_223, %add3A_224, %rem3A_215 : i32
      %dma_start3A_226 = arith.constant 1 : i32
      %dma_start3A_227 = arith.constant 0 : i32
      %dma_start3A_228 = arith.constant 0 : i32
      %dma_start3A_229 = tpu.memref_slice %arg7[%dma_start3A_226, %dma_start3A_227, %dma_start3A_228] : memref<2x16x384xi32, #tpu.memory_space<vmem>> -> memref<1x16x384xi32, #tpu.memory_space<vmem>>
      %dma_start3A_230 = tpu.memref_squeeze %dma_start3A_229 : memref<1x16x384xi32, #tpu.memory_space<vmem>> -> memref<16x384xi32, #tpu.memory_space<vmem>>
      %dma_start3A_231 = arith.constant 0 : i32
      %dma_start3A_232 = arith.constant 0 : i32
      %dma_start3A_233 = tpu.memref_slice %arg2[%select_n3A_209, %dma_start3A_231, %select_n3A_225, %dma_start3A_232] : memref<4x16x384x384xi32, #tpu.memory_space<hbm>> -> memref<1x16x1x384xi32, #tpu.memory_space<hbm>>
      %dma_start3A_234 = tpu.memref_squeeze %dma_start3A_233 : memref<1x16x1x384xi32, #tpu.memory_space<hbm>> -> memref<16x384xi32, #tpu.memory_space<hbm>>
      %dma_start3A_235 = arith.constant 0 : i32
      %dma_start3A_236 = arith.constant 0 : i32
      %dma_start3A_237 = tpu.memref_slice %arg7[%dma_start3A_226, %dma_start3A_235, %dma_start3A_236] : memref<2x16x384xi32, #tpu.memory_space<vmem>> -> memref<1x16x384xi32, #tpu.memory_space<vmem>>
      %dma_start3A_238 = tpu.memref_squeeze %dma_start3A_237 : memref<1x16x384xi32, #tpu.memory_space<vmem>> -> memref<16x384xi32, #tpu.memory_space<vmem>>
      %dma_start3A_239 = arith.constant 0 : i32
      %dma_start3A_240 = arith.constant 0 : i32
      %dma_start3A_241 = tpu.memref_slice %arg2[%select_n3A_209, %dma_start3A_239, %select_n3A_225, %dma_start3A_240] : memref<4x16x384x384xi32, #tpu.memory_space<hbm>> -> memref<1x16x1x384xi32, #tpu.memory_space<hbm>>
      %dma_start3A_242 = tpu.memref_squeeze %dma_start3A_241 : memref<1x16x1x384xi32, #tpu.memory_space<hbm>> -> memref<16x384xi32, #tpu.memory_space<hbm>>
      tpu.enqueue_dma source(%dma_start3A_242 : memref<16x384xi32, #tpu.memory_space<hbm>>) target(%dma_start3A_238 : memref<16x384xi32, #tpu.memory_space<vmem>>) target_semaphore(%arg11 : memref<!tpu.dma_semaphore, #tpu.memory_space<semaphore_mem>>)
      %dma_start3A_243 = arith.constant 1 : i32
      %dma_start3A_244 = arith.constant 0 : i32
      %dma_start3A_245 = arith.constant 0 : i32
      %dma_start3A_246 = tpu.memref_slice %arg8[%dma_start3A_243, %dma_start3A_244, %dma_start3A_245] : memref<2x16x384xf32, #tpu.memory_space<vmem>> -> memref<1x16x384xf32, #tpu.memory_space<vmem>>
      %dma_start3A_247 = tpu.memref_squeeze %dma_start3A_246 : memref<1x16x384xf32, #tpu.memory_space<vmem>> -> memref<16x384xf32, #tpu.memory_space<vmem>>
      %dma_start3A_248 = arith.constant 0 : i32
      %dma_start3A_249 = arith.constant 0 : i32
      %dma_start3A_250 = tpu.memref_slice %arg3[%select_n3A_209, %dma_start3A_248, %select_n3A_225, %dma_start3A_249] : memref<4x16x384x384xf32, #tpu.memory_space<hbm>> -> memref<1x16x1x384xf32, #tpu.memory_space<hbm>>
      %dma_start3A_251 = tpu.memref_squeeze %dma_start3A_250 : memref<1x16x1x384xf32, #tpu.memory_space<hbm>> -> memref<16x384xf32, #tpu.memory_space<hbm>>
      %dma_start3A_252 = arith.constant 0 : i32
      %dma_start3A_253 = arith.constant 0 : i32
      %dma_start3A_254 = tpu.memref_slice %arg8[%dma_start3A_243, %dma_start3A_252, %dma_start3A_253] : memref<2x16x384xf32, #tpu.memory_space<vmem>> -> memref<1x16x384xf32, #tpu.memory_space<vmem>>
      %dma_start3A_255 = tpu.memref_squeeze %dma_start3A_254 : memref<1x16x384xf32, #tpu.memory_space<vmem>> -> memref<16x384xf32, #tpu.memory_space<vmem>>
      %dma_start3A_256 = arith.constant 0 : i32
      %dma_start3A_257 = arith.constant 0 : i32
      %dma_start3A_258 = tpu.memref_slice %arg3[%select_n3A_209, %dma_start3A_256, %select_n3A_225, %dma_start3A_257] : memref<4x16x384x384xf32, #tpu.memory_space<hbm>> -> memref<1x16x1x384xf32, #tpu.memory_space<hbm>>
      %dma_start3A_259 = tpu.memref_squeeze %dma_start3A_258 : memref<1x16x1x384xf32, #tpu.memory_space<hbm>> -> memref<16x384xf32, #tpu.memory_space<hbm>>
      tpu.enqueue_dma source(%dma_start3A_259 : memref<16x384xf32, #tpu.memory_space<hbm>>) target(%dma_start3A_255 : memref<16x384xf32, #tpu.memory_space<vmem>>) target_semaphore(%arg13 : memref<!tpu.dma_semaphore, #tpu.memory_space<semaphore_mem>>)
      %dma_wait3A_260 = arith.constant 0 : i32
      %dma_wait3A_261 = arith.constant 0 : i32
      %dma_wait3A_262 = arith.constant 0 : i32
      %dma_wait3A_263 = arith.constant 0 : i32
      %dma_wait3A_264 = arith.constant 0 : i32
      %dma_wait3A_265 = tpu.memref_slice %arg7[%dma_wait3A_262, %dma_wait3A_263, %dma_wait3A_264] : memref<2x16x384xi32, #tpu.memory_space<vmem>> -> memref<1x16x384xi32, #tpu.memory_space<vmem>>
      %dma_wait3A_266 = tpu.memref_squeeze %dma_wait3A_265 : memref<1x16x384xi32, #tpu.memory_space<vmem>> -> memref<16x384xi32, #tpu.memory_space<vmem>>
      %dma_wait3A_267 = arith.constant 0 : i32
      %dma_wait3A_268 = arith.constant 0 : i32
      %dma_wait3A_269 = tpu.memref_slice %arg2[%dma_wait3A_260, %dma_wait3A_267, %dma_wait3A_261, %dma_wait3A_268] : memref<4x16x384x384xi32, #tpu.memory_space<hbm>> -> memref<1x16x1x384xi32, #tpu.memory_space<hbm>>
      %dma_wait3A_270 = tpu.memref_squeeze %dma_wait3A_269 : memref<1x16x1x384xi32, #tpu.memory_space<hbm>> -> memref<16x384xi32, #tpu.memory_space<hbm>>
      %dma_wait3A_271 = arith.constant 0 : i32
      %dma_wait3A_272 = arith.constant 0 : i32
      %dma_wait3A_273 = tpu.memref_slice %arg7[%dma_wait3A_262, %dma_wait3A_271, %dma_wait3A_272] : memref<2x16x384xi32, #tpu.memory_space<vmem>> -> memref<1x16x384xi32, #tpu.memory_space<vmem>>
      %dma_wait3A_274 = tpu.memref_squeeze %dma_wait3A_273 : memref<1x16x384xi32, #tpu.memory_space<vmem>> -> memref<16x384xi32, #tpu.memory_space<vmem>>
      %dma_wait3A_275 = arith.constant 0 : i32
      %dma_wait3A_276 = arith.constant 0 : i32
      %dma_wait3A_277 = tpu.memref_slice %arg2[%dma_wait3A_260, %dma_wait3A_275, %dma_wait3A_261, %dma_wait3A_276] : memref<4x16x384x384xi32, #tpu.memory_space<hbm>> -> memref<1x16x1x384xi32, #tpu.memory_space<hbm>>
      %dma_wait3A_278 = tpu.memref_squeeze %dma_wait3A_277 : memref<1x16x1x384xi32, #tpu.memory_space<hbm>> -> memref<16x384xi32, #tpu.memory_space<hbm>>
      tpu.wait_dma2 semaphore(%arg10 : memref<!tpu.dma_semaphore, #tpu.memory_space<semaphore_mem>>) src(%dma_wait3A_278 : memref<16x384xi32, #tpu.memory_space<hbm>>) dst(%dma_wait3A_274 : memref<16x384xi32, #tpu.memory_space<vmem>>)
      %dma_wait3A_279 = arith.constant 0 : i32
      %dma_wait3A_280 = arith.constant 0 : i32
      %dma_wait3A_281 = arith.constant 0 : i32
      %dma_wait3A_282 = arith.constant 0 : i32
      %dma_wait3A_283 = arith.constant 0 : i32
      %dma_wait3A_284 = tpu.memref_slice %arg8[%dma_wait3A_281, %dma_wait3A_282, %dma_wait3A_283] : memref<2x16x384xf32, #tpu.memory_space<vmem>> -> memref<1x16x384xf32, #tpu.memory_space<vmem>>
      %dma_wait3A_285 = tpu.memref_squeeze %dma_wait3A_284 : memref<1x16x384xf32, #tpu.memory_space<vmem>> -> memref<16x384xf32, #tpu.memory_space<vmem>>
      %dma_wait3A_286 = arith.constant 0 : i32
      %dma_wait3A_287 = arith.constant 0 : i32
      %dma_wait3A_288 = tpu.memref_slice %arg3[%dma_wait3A_279, %dma_wait3A_286, %dma_wait3A_280, %dma_wait3A_287] : memref<4x16x384x384xf32, #tpu.memory_space<hbm>> -> memref<1x16x1x384xf32, #tpu.memory_space<hbm>>
      %dma_wait3A_289 = tpu.memref_squeeze %dma_wait3A_288 : memref<1x16x1x384xf32, #tpu.memory_space<hbm>> -> memref<16x384xf32, #tpu.memory_space<hbm>>
      %dma_wait3A_290 = arith.constant 0 : i32
      %dma_wait3A_291 = arith.constant 0 : i32
      %dma_wait3A_292 = tpu.memref_slice %arg8[%dma_wait3A_281, %dma_wait3A_290, %dma_wait3A_291] : memref<2x16x384xf32, #tpu.memory_space<vmem>> -> memref<1x16x384xf32, #tpu.memory_space<vmem>>
      %dma_wait3A_293 = tpu.memref_squeeze %dma_wait3A_292 : memref<1x16x384xf32, #tpu.memory_space<vmem>> -> memref<16x384xf32, #tpu.memory_space<vmem>>
      %dma_wait3A_294 = arith.constant 0 : i32
      %dma_wait3A_295 = arith.constant 0 : i32
      %dma_wait3A_296 = tpu.memref_slice %arg3[%dma_wait3A_279, %dma_wait3A_294, %dma_wait3A_280, %dma_wait3A_295] : memref<4x16x384x384xf32, #tpu.memory_space<hbm>> -> memref<1x16x1x384xf32, #tpu.memory_space<hbm>>
      %dma_wait3A_297 = tpu.memref_squeeze %dma_wait3A_296 : memref<1x16x1x384xf32, #tpu.memory_space<hbm>> -> memref<16x384xf32, #tpu.memory_space<hbm>>
      tpu.wait_dma2 semaphore(%arg12 : memref<!tpu.dma_semaphore, #tpu.memory_space<semaphore_mem>>) src(%dma_wait3A_297 : memref<16x384xf32, #tpu.memory_space<hbm>>) dst(%dma_wait3A_293 : memref<16x384xf32, #tpu.memory_space<vmem>>)
      %gt3A = arith.constant 0 : i32
      %gt3A_298 = arith.cmpi sgt, %scan3A_180, %gt3A : i32
      %convert_element_type3A = arith.extui %gt3A_298 : i1 to i32
      %cond3A = arith.constant 0 : i32
      %cond3A_299 = arith.cmpi ne, %convert_element_type3A, %cond3A : i32
      scf.if %cond3A_299 {
        %dma_wait3A_510 = arith.constant 0 : i32
        %dma_wait3A_511 = arith.constant 0 : i32
        %dma_wait3A_512 = arith.constant 0 : i32
        %dma_wait3A_513 = arith.constant 0 : i32
        %dma_wait3A_514 = arith.constant 0 : i32
        %dma_wait3A_515 = arith.constant 0 : i32
        %dma_wait3A_516 = tpu.memref_slice %arg9[%dma_wait3A_510, %dma_wait3A_511, %dma_wait3A_515] : memref<2x2x384xf32, #tpu.memory_space<vmem>> -> memref<1x1x384xf32, #tpu.memory_space<vmem>>
        %dma_wait3A_517 = tpu.memref_squeeze %dma_wait3A_516 : memref<1x1x384xf32, #tpu.memory_space<vmem>> -> memref<384xf32, #tpu.memory_space<vmem>>
        %dma_wait3A_518 = arith.constant 0 : i32
        %dma_wait3A_519 = tpu.memref_slice %arg5[%dma_wait3A_512, %dma_wait3A_513, %dma_wait3A_514, %dma_wait3A_518] : memref<4x4x384x384xf32, #tpu.memory_space<hbm>> -> memref<1x1x1x384xf32, #tpu.memory_space<hbm>>
        %dma_wait3A_520 = tpu.memref_squeeze %dma_wait3A_519 : memref<1x1x1x384xf32, #tpu.memory_space<hbm>> -> memref<384xf32, #tpu.memory_space<hbm>>
        %dma_wait3A_521 = arith.constant 0 : i32
        %dma_wait3A_522 = tpu.memref_slice %arg5[%dma_wait3A_512, %dma_wait3A_513, %dma_wait3A_514, %dma_wait3A_521] : memref<4x4x384x384xf32, #tpu.memory_space<hbm>> -> memref<1x1x1x384xf32, #tpu.memory_space<hbm>>
        %dma_wait3A_523 = tpu.memref_squeeze %dma_wait3A_522 : memref<1x1x1x384xf32, #tpu.memory_space<hbm>> -> memref<384xf32, #tpu.memory_space<hbm>>
        %dma_wait3A_524 = arith.constant 0 : i32
        %dma_wait3A_525 = tpu.memref_slice %arg9[%dma_wait3A_510, %dma_wait3A_511, %dma_wait3A_524] : memref<2x2x384xf32, #tpu.memory_space<vmem>> -> memref<1x1x384xf32, #tpu.memory_space<vmem>>
        %dma_wait3A_526 = tpu.memref_squeeze %dma_wait3A_525 : memref<1x1x384xf32, #tpu.memory_space<vmem>> -> memref<384xf32, #tpu.memory_space<vmem>>
        tpu.wait_dma2 semaphore(%arg14 : memref<!tpu.dma_semaphore, #tpu.memory_space<semaphore_mem>>) src(%dma_wait3A_526 : memref<384xf32, #tpu.memory_space<vmem>>) dst(%dma_wait3A_523 : memref<384xf32, #tpu.memory_space<hbm>>)
        %dma_wait3A_527 = arith.constant 0 : i32
        %dma_wait3A_528 = arith.constant 1 : i32
        %dma_wait3A_529 = arith.constant 0 : i32
        %dma_wait3A_530 = arith.constant 0 : i32
        %dma_wait3A_531 = arith.constant 0 : i32
        %dma_wait3A_532 = arith.constant 0 : i32
        %dma_wait3A_533 = tpu.memref_slice %arg9[%dma_wait3A_527, %dma_wait3A_528, %dma_wait3A_532] : memref<2x2x384xf32, #tpu.memory_space<vmem>> -> memref<1x1x384xf32, #tpu.memory_space<vmem>>
        %dma_wait3A_534 = tpu.memref_squeeze %dma_wait3A_533 : memref<1x1x384xf32, #tpu.memory_space<vmem>> -> memref<384xf32, #tpu.memory_space<vmem>>
        %dma_wait3A_535 = arith.constant 0 : i32
        %dma_wait3A_536 = tpu.memref_slice %arg5[%dma_wait3A_529, %dma_wait3A_530, %dma_wait3A_531, %dma_wait3A_535] : memref<4x4x384x384xf32, #tpu.memory_space<hbm>> -> memref<1x1x1x384xf32, #tpu.memory_space<hbm>>
        %dma_wait3A_537 = tpu.memref_squeeze %dma_wait3A_536 : memref<1x1x1x384xf32, #tpu.memory_space<hbm>> -> memref<384xf32, #tpu.memory_space<hbm>>
        %dma_wait3A_538 = arith.constant 0 : i32
        %dma_wait3A_539 = tpu.memref_slice %arg5[%dma_wait3A_529, %dma_wait3A_530, %dma_wait3A_531, %dma_wait3A_538] : memref<4x4x384x384xf32, #tpu.memory_space<hbm>> -> memref<1x1x1x384xf32, #tpu.memory_space<hbm>>
        %dma_wait3A_540 = tpu.memref_squeeze %dma_wait3A_539 : memref<1x1x1x384xf32, #tpu.memory_space<hbm>> -> memref<384xf32, #tpu.memory_space<hbm>>
        %dma_wait3A_541 = arith.constant 0 : i32
        %dma_wait3A_542 = tpu.memref_slice %arg9[%dma_wait3A_527, %dma_wait3A_528, %dma_wait3A_541] : memref<2x2x384xf32, #tpu.memory_space<vmem>> -> memref<1x1x384xf32, #tpu.memory_space<vmem>>
        %dma_wait3A_543 = tpu.memref_squeeze %dma_wait3A_542 : memref<1x1x384xf32, #tpu.memory_space<vmem>> -> memref<384xf32, #tpu.memory_space<vmem>>
        tpu.wait_dma2 semaphore(%arg14 : memref<!tpu.dma_semaphore, #tpu.memory_space<semaphore_mem>>) src(%dma_wait3A_543 : memref<384xf32, #tpu.memory_space<vmem>>) dst(%dma_wait3A_540 : memref<384xf32, #tpu.memory_space<hbm>>)
      } else {
      }
      %scan3A_300 = arith.constant 0 : i32
      %scan3A_301 = arith.constant 0 : i32
      %scan3A_302 = arith.constant 24 : i32
      %scan3A_303 = arith.addi %scan3A_301, %scan3A_302 : i32
      %scan3A_304 = arith.constant 1 : i32
      scf.for %scan3A_510 = %scan3A_301 to %scan3A_303 step %scan3A_304  : i32 {
        %mul3A_511 = arith.constant 16 : i32
        %mul3A_512 = arith.muli %scan3A_510, %mul3A_511 : i32
        %get3A = arith.constant 0 : i32
        %get3A_513 = arith.constant 0 : i32
        %get3A_514 = arith.index_cast %get3A : i32 to index
        %get3A_515 = arith.index_cast %get3A_513 : i32 to index
        %get3A_516 = arith.index_cast %mul3A_512 : i32 to index
        %get3A_517 = tpu.vector_load %arg7[%get3A_514, %get3A_515, %get3A_516] {strides = array<i32>} : memref<2x16x384xi32, #tpu.memory_space<vmem>>, vector<16xi32>,
        %mul3A_518 = arith.constant 16 : i32
        %mul3A_519 = arith.muli %scan3A_510, %mul3A_518 : i32
        %get3A_520 = arith.constant 0 : i32
        %get3A_521 = arith.constant 0 : i32
        %get3A_522 = arith.index_cast %get3A_520 : i32 to index
        %get3A_523 = arith.index_cast %get3A_521 : i32 to index
        %get3A_524 = arith.index_cast %mul3A_519 : i32 to index
        %get3A_525 = tpu.vector_load %arg8[%get3A_522, %get3A_523, %get3A_524] {strides = array<i32>} : memref<2x16x384xf32, #tpu.memory_space<vmem>>, vector<16xf32>,
        %mul3A_526 = arith.constant 16 : i32
        %mul3A_527 = arith.muli %scan3A_510, %mul3A_526 : i32
        %swap3A = arith.constant 0 : i32
        %swap3A_528 = arith.constant 0 : i32
        %swap3A_529 = arith.index_cast %swap3A : i32 to index
        %swap3A_530 = arith.index_cast %swap3A_528 : i32 to index
        %swap3A_531 = arith.index_cast %mul3A_527 : i32 to index
        %swap3A_532 = tpu.vector_load %arg9[%swap3A_529, %swap3A_530, %swap3A_531] {strides = array<i32>} : memref<2x2x384xf32, #tpu.memory_space<vmem>>, vector<16xf32>,
        tpu.vector_store %arg9[%swap3A_529, %swap3A_530, %swap3A_531], %get3A_525 {strides = array<i32>} : memref<2x2x384xf32, #tpu.memory_space<vmem>>, vector<16xf32>,
        %bitcast3A = vector.bitcast %get3A_517 : vector<16xi32> to vector<16xf32>
        %mul3A_533 = arith.constant 16 : i32
        %mul3A_534 = arith.muli %scan3A_510, %mul3A_533 : i32
        %swap3A_535 = arith.constant 0 : i32
        %swap3A_536 = arith.constant 1 : i32
        %swap3A_537 = arith.index_cast %swap3A_535 : i32 to index
        %swap3A_538 = arith.index_cast %swap3A_536 : i32 to index
        %swap3A_539 = arith.index_cast %mul3A_534 : i32 to index
        %swap3A_540 = tpu.vector_load %arg9[%swap3A_537, %swap3A_538, %swap3A_539] {strides = array<i32>} : memref<2x2x384xf32, #tpu.memory_space<vmem>>, vector<16xf32>,
        tpu.vector_store %arg9[%swap3A_537, %swap3A_538, %swap3A_539], %bitcast3A {strides = array<i32>} : memref<2x2x384xf32, #tpu.memory_space<vmem>>, vector<16xf32>,
      }
      %scan3A_305 = arith.constant 24 : i32
      %jit3A_306 = arith.constant 384 : i32
      %div3A_307 = arith.divsi %add3A_183, %jit3A_306 : i32
      %sign3A_308 = arith.constant 0 : i32
      %sign3A_309 = arith.cmpi sgt, %add3A_183, %sign3A_308 : i32
      %sign3A_310 = arith.extui %sign3A_309 : i1 to i32
      %sign3A_311 = arith.constant 0 : i32
      %sign3A_312 = arith.cmpi slt, %add3A_183, %sign3A_311 : i32
      %sign3A_313 = arith.extui %sign3A_312 : i1 to i32
      %sign3A_314 = arith.subi %sign3A_310, %sign3A_313 : i32
      %sign3A_315 = arith.constant 0 : i32
      %sign3A_316 = arith.cmpi sgt, %jit3A_306, %sign3A_315 : i32
      %sign3A_317 = arith.extui %sign3A_316 : i1 to i32
      %sign3A_318 = arith.constant 0 : i32
      %sign3A_319 = arith.cmpi slt, %jit3A_306, %sign3A_318 : i32
      %sign3A_320 = arith.extui %sign3A_319 : i1 to i32
      %sign3A_321 = arith.subi %sign3A_317, %sign3A_320 : i32
      %ne3A_322 = arith.cmpi ne, %sign3A_314, %sign3A_321 : i32
      %rem3A_323 = arith.remsi %add3A_183, %jit3A_306 : i32
      %ne3A_324 = arith.constant 0 : i32
      %ne3A_325 = arith.cmpi ne, %rem3A_323, %ne3A_324 : i32
      %and3A_326 = arith.andi %ne3A_322, %ne3A_325 : i1
      %sub3A_327 = arith.constant 1 : i32
      %sub3A_328 = arith.subi %div3A_307, %sub3A_327 : i32
      %select_n3A_329 = arith.select %and3A_326, %sub3A_328, %div3A_307 : i32
      %jit3A_330 = arith.constant 384 : i32
      %eq3A_331 = arith.constant 0 : i32
      %eq3A_332 = arith.cmpi eq, %jit3A_330, %eq3A_331 : i32
      %jit3A_333 = arith.constant 1 : i32
      %select_n3A_334 = arith.select %eq3A_332, %jit3A_333, %jit3A_330 : i32
      %rem3A_335 = arith.remsi %add3A_183, %select_n3A_334 : i32
      %ne3A_336 = arith.constant 0 : i32
      %ne3A_337 = arith.cmpi ne, %rem3A_335, %ne3A_336 : i32
      %lt3A_338 = arith.constant 0 : i32
      %lt3A_339 = arith.cmpi slt, %rem3A_335, %lt3A_338 : i32
      %lt3A_340 = arith.constant 0 : i32
      %lt3A_341 = arith.cmpi slt, %select_n3A_334, %lt3A_340 : i32
      %ne3A_342 = arith.xori %lt3A_339, %lt3A_341 : i1
      %and3A_343 = arith.andi %ne3A_342, %ne3A_337 : i1
      %add3A_344 = arith.addi %rem3A_335, %select_n3A_334 : i32
      %select_n3A_345 = arith.select %and3A_343, %add3A_344, %rem3A_335 : i32
      %mul3A_346 = arith.constant 2 : i32
      %mul3A_347 = arith.muli %mul3A_346, %select_n3A_9 : i32
      %dma_start3A_348 = arith.constant 0 : i32
      %dma_start3A_349 = arith.constant 0 : i32
      %dma_start3A_350 = arith.constant 0 : i32
      %dma_start3A_351 = tpu.memref_slice %arg9[%dma_start3A_348, %dma_start3A_349, %dma_start3A_350] : memref<2x2x384xf32, #tpu.memory_space<vmem>> -> memref<1x1x384xf32, #tpu.memory_space<vmem>>
      %dma_start3A_352 = tpu.memref_squeeze %dma_start3A_351 : memref<1x1x384xf32, #tpu.memory_space<vmem>> -> memref<384xf32, #tpu.memory_space<vmem>>
      %dma_start3A_353 = arith.constant 0 : i32
      %dma_start3A_354 = tpu.memref_slice %arg5[%select_n3A_329, %mul3A_347, %select_n3A_345, %dma_start3A_353] : memref<4x4x384x384xf32, #tpu.memory_space<hbm>> -> memref<1x1x1x384xf32, #tpu.memory_space<hbm>>
      %dma_start3A_355 = tpu.memref_squeeze %dma_start3A_354 : memref<1x1x1x384xf32, #tpu.memory_space<hbm>> -> memref<384xf32, #tpu.memory_space<hbm>>
      %dma_start3A_356 = arith.constant 0 : i32
      %dma_start3A_357 = tpu.memref_slice %arg5[%select_n3A_329, %mul3A_347, %select_n3A_345, %dma_start3A_356] : memref<4x4x384x384xf32, #tpu.memory_space<hbm>> -> memref<1x1x1x384xf32, #tpu.memory_space<hbm>>
      %dma_start3A_358 = tpu.memref_squeeze %dma_start3A_357 : memref<1x1x1x384xf32, #tpu.memory_space<hbm>> -> memref<384xf32, #tpu.memory_space<hbm>>
      %dma_start3A_359 = arith.constant 0 : i32
      %dma_start3A_360 = tpu.memref_slice %arg9[%dma_start3A_348, %dma_start3A_349, %dma_start3A_359] : memref<2x2x384xf32, #tpu.memory_space<vmem>> -> memref<1x1x384xf32, #tpu.memory_space<vmem>>
      %dma_start3A_361 = tpu.memref_squeeze %dma_start3A_360 : memref<1x1x384xf32, #tpu.memory_space<vmem>> -> memref<384xf32, #tpu.memory_space<vmem>>
      tpu.enqueue_dma source(%dma_start3A_361 : memref<384xf32, #tpu.memory_space<vmem>>) target(%dma_start3A_358 : memref<384xf32, #tpu.memory_space<hbm>>) target_semaphore(%arg14 : memref<!tpu.dma_semaphore, #tpu.memory_space<semaphore_mem>>)
      %mul3A_362 = arith.constant 2 : i32
      %mul3A_363 = arith.muli %mul3A_362, %select_n3A_9 : i32
      %add3A_364 = arith.constant 1 : i32
      %add3A_365 = arith.addi %mul3A_363, %add3A_364 : i32
      %dma_start3A_366 = arith.constant 0 : i32
      %dma_start3A_367 = arith.constant 1 : i32
      %dma_start3A_368 = arith.constant 0 : i32
      %dma_start3A_369 = tpu.memref_slice %arg9[%dma_start3A_366, %dma_start3A_367, %dma_start3A_368] : memref<2x2x384xf32, #tpu.memory_space<vmem>> -> memref<1x1x384xf32, #tpu.memory_space<vmem>>
      %dma_start3A_370 = tpu.memref_squeeze %dma_start3A_369 : memref<1x1x384xf32, #tpu.memory_space<vmem>> -> memref<384xf32, #tpu.memory_space<vmem>>
      %dma_start3A_371 = arith.constant 0 : i32
      %dma_start3A_372 = tpu.memref_slice %arg5[%select_n3A_329, %add3A_365, %select_n3A_345, %dma_start3A_371] : memref<4x4x384x384xf32, #tpu.memory_space<hbm>> -> memref<1x1x1x384xf32, #tpu.memory_space<hbm>>
      %dma_start3A_373 = tpu.memref_squeeze %dma_start3A_372 : memref<1x1x1x384xf32, #tpu.memory_space<hbm>> -> memref<384xf32, #tpu.memory_space<hbm>>
      %dma_start3A_374 = arith.constant 0 : i32
      %dma_start3A_375 = tpu.memref_slice %arg5[%select_n3A_329, %add3A_365, %select_n3A_345, %dma_start3A_374] : memref<4x4x384x384xf32, #tpu.memory_space<hbm>> -> memref<1x1x1x384xf32, #tpu.memory_space<hbm>>
      %dma_start3A_376 = tpu.memref_squeeze %dma_start3A_375 : memref<1x1x1x384xf32, #tpu.memory_space<hbm>> -> memref<384xf32, #tpu.memory_space<hbm>>
      %dma_start3A_377 = arith.constant 0 : i32
      %dma_start3A_378 = tpu.memref_slice %arg9[%dma_start3A_366, %dma_start3A_367, %dma_start3A_377] : memref<2x2x384xf32, #tpu.memory_space<vmem>> -> memref<1x1x384xf32, #tpu.memory_space<vmem>>
      %dma_start3A_379 = tpu.memref_squeeze %dma_start3A_378 : memref<1x1x384xf32, #tpu.memory_space<vmem>> -> memref<384xf32, #tpu.memory_space<vmem>>
      tpu.enqueue_dma source(%dma_start3A_379 : memref<384xf32, #tpu.memory_space<vmem>>) target(%dma_start3A_376 : memref<384xf32, #tpu.memory_space<hbm>>) target_semaphore(%arg14 : memref<!tpu.dma_semaphore, #tpu.memory_space<semaphore_mem>>)
      %lt3A_380 = arith.constant 47 : i32
      %lt3A_381 = arith.cmpi slt, %scan3A_180, %lt3A_380 : i32
      %convert_element_type3A_382 = arith.extui %lt3A_381 : i1 to i32
      %cond3A_383 = arith.constant 0 : i32
      %cond3A_384 = arith.cmpi ne, %convert_element_type3A_382, %cond3A_383 : i32
      scf.if %cond3A_384 {
        %add3A_510 = arith.constant 2 : i32
        %add3A_511 = arith.addi %add3A_183, %add3A_510 : i32
        %jit3A_512 = arith.constant 384 : i32
        %div3A_513 = arith.divsi %add3A_511, %jit3A_512 : i32
        %sign3A_514 = arith.constant 0 : i32
        %sign3A_515 = arith.cmpi sgt, %add3A_511, %sign3A_514 : i32
        %sign3A_516 = arith.extui %sign3A_515 : i1 to i32
        %sign3A_517 = arith.constant 0 : i32
        %sign3A_518 = arith.cmpi slt, %add3A_511, %sign3A_517 : i32
        %sign3A_519 = arith.extui %sign3A_518 : i1 to i32
        %sign3A_520 = arith.subi %sign3A_516, %sign3A_519 : i32
        %sign3A_521 = arith.constant 0 : i32
        %sign3A_522 = arith.cmpi sgt, %jit3A_512, %sign3A_521 : i32
        %sign3A_523 = arith.extui %sign3A_522 : i1 to i32
        %sign3A_524 = arith.constant 0 : i32
        %sign3A_525 = arith.cmpi slt, %jit3A_512, %sign3A_524 : i32
        %sign3A_526 = arith.extui %sign3A_525 : i1 to i32
        %sign3A_527 = arith.subi %sign3A_523, %sign3A_526 : i32
        %ne3A_528 = arith.cmpi ne, %sign3A_520, %sign3A_527 : i32
        %rem3A_529 = arith.remsi %add3A_511, %jit3A_512 : i32
        %ne3A_530 = arith.constant 0 : i32
        %ne3A_531 = arith.cmpi ne, %rem3A_529, %ne3A_530 : i32
        %and3A_532 = arith.andi %ne3A_528, %ne3A_531 : i1
        %sub3A_533 = arith.constant 1 : i32
        %sub3A_534 = arith.subi %div3A_513, %sub3A_533 : i32
        %select_n3A_535 = arith.select %and3A_532, %sub3A_534, %div3A_513 : i32
        %jit3A_536 = arith.constant 384 : i32
        %eq3A_537 = arith.constant 0 : i32
        %eq3A_538 = arith.cmpi eq, %jit3A_536, %eq3A_537 : i32
        %jit3A_539 = arith.constant 1 : i32
        %select_n3A_540 = arith.select %eq3A_538, %jit3A_539, %jit3A_536 : i32
        %rem3A_541 = arith.remsi %add3A_511, %select_n3A_540 : i32
        %ne3A_542 = arith.constant 0 : i32
        %ne3A_543 = arith.cmpi ne, %rem3A_541, %ne3A_542 : i32
        %lt3A_544 = arith.constant 0 : i32
        %lt3A_545 = arith.cmpi slt, %rem3A_541, %lt3A_544 : i32
        %lt3A_546 = arith.constant 0 : i32
        %lt3A_547 = arith.cmpi slt, %select_n3A_540, %lt3A_546 : i32
        %ne3A_548 = arith.xori %lt3A_545, %lt3A_547 : i1
        %and3A_549 = arith.andi %ne3A_548, %ne3A_543 : i1
        %add3A_550 = arith.addi %rem3A_541, %select_n3A_540 : i32
        %select_n3A_551 = arith.select %and3A_549, %add3A_550, %rem3A_541 : i32
        %dma_start3A_552 = arith.constant 0 : i32
        %dma_start3A_553 = arith.constant 0 : i32
        %dma_start3A_554 = arith.constant 0 : i32
        %dma_start3A_555 = tpu.memref_slice %arg7[%dma_start3A_552, %dma_start3A_553, %dma_start3A_554] : memref<2x16x384xi32, #tpu.memory_space<vmem>> -> memref<1x16x384xi32, #tpu.memory_space<vmem>>
        %dma_start3A_556 = tpu.memref_squeeze %dma_start3A_555 : memref<1x16x384xi32, #tpu.memory_space<vmem>> -> memref<16x384xi32, #tpu.memory_space<vmem>>
        %dma_start3A_557 = arith.constant 0 : i32
        %dma_start3A_558 = arith.constant 0 : i32
        %dma_start3A_559 = tpu.memref_slice %arg2[%select_n3A_535, %dma_start3A_557, %select_n3A_551, %dma_start3A_558] : memref<4x16x384x384xi32, #tpu.memory_space<hbm>> -> memref<1x16x1x384xi32, #tpu.memory_space<hbm>>
        %dma_start3A_560 = tpu.memref_squeeze %dma_start3A_559 : memref<1x16x1x384xi32, #tpu.memory_space<hbm>> -> memref<16x384xi32, #tpu.memory_space<hbm>>
        %dma_start3A_561 = arith.constant 0 : i32
        %dma_start3A_562 = arith.constant 0 : i32
        %dma_start3A_563 = tpu.memref_slice %arg7[%dma_start3A_552, %dma_start3A_561, %dma_start3A_562] : memref<2x16x384xi32, #tpu.memory_space<vmem>> -> memref<1x16x384xi32, #tpu.memory_space<vmem>>
        %dma_start3A_564 = tpu.memref_squeeze %dma_start3A_563 : memref<1x16x384xi32, #tpu.memory_space<vmem>> -> memref<16x384xi32, #tpu.memory_space<vmem>>
        %dma_start3A_565 = arith.constant 0 : i32
        %dma_start3A_566 = arith.constant 0 : i32
        %dma_start3A_567 = tpu.memref_slice %arg2[%select_n3A_535, %dma_start3A_565, %select_n3A_551, %dma_start3A_566] : memref<4x16x384x384xi32, #tpu.memory_space<hbm>> -> memref<1x16x1x384xi32, #tpu.memory_space<hbm>>
        %dma_start3A_568 = tpu.memref_squeeze %dma_start3A_567 : memref<1x16x1x384xi32, #tpu.memory_space<hbm>> -> memref<16x384xi32, #tpu.memory_space<hbm>>
        tpu.enqueue_dma source(%dma_start3A_568 : memref<16x384xi32, #tpu.memory_space<hbm>>) target(%dma_start3A_564 : memref<16x384xi32, #tpu.memory_space<vmem>>) target_semaphore(%arg10 : memref<!tpu.dma_semaphore, #tpu.memory_space<semaphore_mem>>)
        %dma_start3A_569 = arith.constant 0 : i32
        %dma_start3A_570 = arith.constant 0 : i32
        %dma_start3A_571 = arith.constant 0 : i32
        %dma_start3A_572 = tpu.memref_slice %arg8[%dma_start3A_569, %dma_start3A_570, %dma_start3A_571] : memref<2x16x384xf32, #tpu.memory_space<vmem>> -> memref<1x16x384xf32, #tpu.memory_space<vmem>>
        %dma_start3A_573 = tpu.memref_squeeze %dma_start3A_572 : memref<1x16x384xf32, #tpu.memory_space<vmem>> -> memref<16x384xf32, #tpu.memory_space<vmem>>
        %dma_start3A_574 = arith.constant 0 : i32
        %dma_start3A_575 = arith.constant 0 : i32
        %dma_start3A_576 = tpu.memref_slice %arg3[%select_n3A_535, %dma_start3A_574, %select_n3A_551, %dma_start3A_575] : memref<4x16x384x384xf32, #tpu.memory_space<hbm>> -> memref<1x16x1x384xf32, #tpu.memory_space<hbm>>
        %dma_start3A_577 = tpu.memref_squeeze %dma_start3A_576 : memref<1x16x1x384xf32, #tpu.memory_space<hbm>> -> memref<16x384xf32, #tpu.memory_space<hbm>>
        %dma_start3A_578 = arith.constant 0 : i32
        %dma_start3A_579 = arith.constant 0 : i32
        %dma_start3A_580 = tpu.memref_slice %arg8[%dma_start3A_569, %dma_start3A_578, %dma_start3A_579] : memref<2x16x384xf32, #tpu.memory_space<vmem>> -> memref<1x16x384xf32, #tpu.memory_space<vmem>>
        %dma_start3A_581 = tpu.memref_squeeze %dma_start3A_580 : memref<1x16x384xf32, #tpu.memory_space<vmem>> -> memref<16x384xf32, #tpu.memory_space<vmem>>
        %dma_start3A_582 = arith.constant 0 : i32
        %dma_start3A_583 = arith.constant 0 : i32
        %dma_start3A_584 = tpu.memref_slice %arg3[%select_n3A_535, %dma_start3A_582, %select_n3A_551, %dma_start3A_583] : memref<4x16x384x384xf32, #tpu.memory_space<hbm>> -> memref<1x16x1x384xf32, #tpu.memory_space<hbm>>
        %dma_start3A_585 = tpu.memref_squeeze %dma_start3A_584 : memref<1x16x1x384xf32, #tpu.memory_space<hbm>> -> memref<16x384xf32, #tpu.memory_space<hbm>>
        tpu.enqueue_dma source(%dma_start3A_585 : memref<16x384xf32, #tpu.memory_space<hbm>>) target(%dma_start3A_581 : memref<16x384xf32, #tpu.memory_space<vmem>>) target_semaphore(%arg12 : memref<!tpu.dma_semaphore, #tpu.memory_space<semaphore_mem>>)
      } else {
      }
      %dma_wait3A_385 = arith.constant 0 : i32
      %dma_wait3A_386 = arith.constant 0 : i32
      %dma_wait3A_387 = arith.constant 1 : i32
      %dma_wait3A_388 = arith.constant 0 : i32
      %dma_wait3A_389 = arith.constant 0 : i32
      %dma_wait3A_390 = tpu.memref_slice %arg7[%dma_wait3A_387, %dma_wait3A_388, %dma_wait3A_389] : memref<2x16x384xi32, #tpu.memory_space<vmem>> -> memref<1x16x384xi32, #tpu.memory_space<vmem>>
      %dma_wait3A_391 = tpu.memref_squeeze %dma_wait3A_390 : memref<1x16x384xi32, #tpu.memory_space<vmem>> -> memref<16x384xi32, #tpu.memory_space<vmem>>
      %dma_wait3A_392 = arith.constant 0 : i32
      %dma_wait3A_393 = arith.constant 0 : i32
      %dma_wait3A_394 = tpu.memref_slice %arg2[%dma_wait3A_385, %dma_wait3A_392, %dma_wait3A_386, %dma_wait3A_393] : memref<4x16x384x384xi32, #tpu.memory_space<hbm>> -> memref<1x16x1x384xi32, #tpu.memory_space<hbm>>
      %dma_wait3A_395 = tpu.memref_squeeze %dma_wait3A_394 : memref<1x16x1x384xi32, #tpu.memory_space<hbm>> -> memref<16x384xi32, #tpu.memory_space<hbm>>
      %dma_wait3A_396 = arith.constant 0 : i32
      %dma_wait3A_397 = arith.constant 0 : i32
      %dma_wait3A_398 = tpu.memref_slice %arg7[%dma_wait3A_387, %dma_wait3A_396, %dma_wait3A_397] : memref<2x16x384xi32, #tpu.memory_space<vmem>> -> memref<1x16x384xi32, #tpu.memory_space<vmem>>
      %dma_wait3A_399 = tpu.memref_squeeze %dma_wait3A_398 : memref<1x16x384xi32, #tpu.memory_space<vmem>> -> memref<16x384xi32, #tpu.memory_space<vmem>>
      %dma_wait3A_400 = arith.constant 0 : i32
      %dma_wait3A_401 = arith.constant 0 : i32
      %dma_wait3A_402 = tpu.memref_slice %arg2[%dma_wait3A_385, %dma_wait3A_400, %dma_wait3A_386, %dma_wait3A_401] : memref<4x16x384x384xi32, #tpu.memory_space<hbm>> -> memref<1x16x1x384xi32, #tpu.memory_space<hbm>>
      %dma_wait3A_403 = tpu.memref_squeeze %dma_wait3A_402 : memref<1x16x1x384xi32, #tpu.memory_space<hbm>> -> memref<16x384xi32, #tpu.memory_space<hbm>>
      tpu.wait_dma2 semaphore(%arg11 : memref<!tpu.dma_semaphore, #tpu.memory_space<semaphore_mem>>) src(%dma_wait3A_403 : memref<16x384xi32, #tpu.memory_space<hbm>>) dst(%dma_wait3A_399 : memref<16x384xi32, #tpu.memory_space<vmem>>)
      %dma_wait3A_404 = arith.constant 0 : i32
      %dma_wait3A_405 = arith.constant 0 : i32
      %dma_wait3A_406 = arith.constant 1 : i32
      %dma_wait3A_407 = arith.constant 0 : i32
      %dma_wait3A_408 = arith.constant 0 : i32
      %dma_wait3A_409 = tpu.memref_slice %arg8[%dma_wait3A_406, %dma_wait3A_407, %dma_wait3A_408] : memref<2x16x384xf32, #tpu.memory_space<vmem>> -> memref<1x16x384xf32, #tpu.memory_space<vmem>>
      %dma_wait3A_410 = tpu.memref_squeeze %dma_wait3A_409 : memref<1x16x384xf32, #tpu.memory_space<vmem>> -> memref<16x384xf32, #tpu.memory_space<vmem>>
      %dma_wait3A_411 = arith.constant 0 : i32
      %dma_wait3A_412 = arith.constant 0 : i32
      %dma_wait3A_413 = tpu.memref_slice %arg3[%dma_wait3A_404, %dma_wait3A_411, %dma_wait3A_405, %dma_wait3A_412] : memref<4x16x384x384xf32, #tpu.memory_space<hbm>> -> memref<1x16x1x384xf32, #tpu.memory_space<hbm>>
      %dma_wait3A_414 = tpu.memref_squeeze %dma_wait3A_413 : memref<1x16x1x384xf32, #tpu.memory_space<hbm>> -> memref<16x384xf32, #tpu.memory_space<hbm>>
      %dma_wait3A_415 = arith.constant 0 : i32
      %dma_wait3A_416 = arith.constant 0 : i32
      %dma_wait3A_417 = tpu.memref_slice %arg8[%dma_wait3A_406, %dma_wait3A_415, %dma_wait3A_416] : memref<2x16x384xf32, #tpu.memory_space<vmem>> -> memref<1x16x384xf32, #tpu.memory_space<vmem>>
      %dma_wait3A_418 = tpu.memref_squeeze %dma_wait3A_417 : memref<1x16x384xf32, #tpu.memory_space<vmem>> -> memref<16x384xf32, #tpu.memory_space<vmem>>
      %dma_wait3A_419 = arith.constant 0 : i32
      %dma_wait3A_420 = arith.constant 0 : i32
      %dma_wait3A_421 = tpu.memref_slice %arg3[%dma_wait3A_404, %dma_wait3A_419, %dma_wait3A_405, %dma_wait3A_420] : memref<4x16x384x384xf32, #tpu.memory_space<hbm>> -> memref<1x16x1x384xf32, #tpu.memory_space<hbm>>
      %dma_wait3A_422 = tpu.memref_squeeze %dma_wait3A_421 : memref<1x16x1x384xf32, #tpu.memory_space<hbm>> -> memref<16x384xf32, #tpu.memory_space<hbm>>
      tpu.wait_dma2 semaphore(%arg13 : memref<!tpu.dma_semaphore, #tpu.memory_space<semaphore_mem>>) src(%dma_wait3A_422 : memref<16x384xf32, #tpu.memory_space<hbm>>) dst(%dma_wait3A_418 : memref<16x384xf32, #tpu.memory_space<vmem>>)
      %gt3A_423 = arith.constant 0 : i32
      %gt3A_424 = arith.cmpi sgt, %scan3A_180, %gt3A_423 : i32
      %convert_element_type3A_425 = arith.extui %gt3A_424 : i1 to i32
      %cond3A_426 = arith.constant 0 : i32
      %cond3A_427 = arith.cmpi ne, %convert_element_type3A_425, %cond3A_426 : i32
      scf.if %cond3A_427 {
        %dma_wait3A_510 = arith.constant 1 : i32
        %dma_wait3A_511 = arith.constant 0 : i32
        %dma_wait3A_512 = arith.constant 0 : i32
        %dma_wait3A_513 = arith.constant 0 : i32
        %dma_wait3A_514 = arith.constant 0 : i32
        %dma_wait3A_515 = arith.constant 0 : i32
        %dma_wait3A_516 = tpu.memref_slice %arg9[%dma_wait3A_510, %dma_wait3A_511, %dma_wait3A_515] : memref<2x2x384xf32, #tpu.memory_space<vmem>> -> memref<1x1x384xf32, #tpu.memory_space<vmem>>
        %dma_wait3A_517 = tpu.memref_squeeze %dma_wait3A_516 : memref<1x1x384xf32, #tpu.memory_space<vmem>> -> memref<384xf32, #tpu.memory_space<vmem>>
        %dma_wait3A_518 = arith.constant 0 : i32
        %dma_wait3A_519 = tpu.memref_slice %arg5[%dma_wait3A_512, %dma_wait3A_513, %dma_wait3A_514, %dma_wait3A_518] : memref<4x4x384x384xf32, #tpu.memory_space<hbm>> -> memref<1x1x1x384xf32, #tpu.memory_space<hbm>>
        %dma_wait3A_520 = tpu.memref_squeeze %dma_wait3A_519 : memref<1x1x1x384xf32, #tpu.memory_space<hbm>> -> memref<384xf32, #tpu.memory_space<hbm>>
        %dma_wait3A_521 = arith.constant 0 : i32
        %dma_wait3A_522 = tpu.memref_slice %arg5[%dma_wait3A_512, %dma_wait3A_513, %dma_wait3A_514, %dma_wait3A_521] : memref<4x4x384x384xf32, #tpu.memory_space<hbm>> -> memref<1x1x1x384xf32, #tpu.memory_space<hbm>>
        %dma_wait3A_523 = tpu.memref_squeeze %dma_wait3A_522 : memref<1x1x1x384xf32, #tpu.memory_space<hbm>> -> memref<384xf32, #tpu.memory_space<hbm>>
        %dma_wait3A_524 = arith.constant 0 : i32
        %dma_wait3A_525 = tpu.memref_slice %arg9[%dma_wait3A_510, %dma_wait3A_511, %dma_wait3A_524] : memref<2x2x384xf32, #tpu.memory_space<vmem>> -> memref<1x1x384xf32, #tpu.memory_space<vmem>>
        %dma_wait3A_526 = tpu.memref_squeeze %dma_wait3A_525 : memref<1x1x384xf32, #tpu.memory_space<vmem>> -> memref<384xf32, #tpu.memory_space<vmem>>
        tpu.wait_dma2 semaphore(%arg15 : memref<!tpu.dma_semaphore, #tpu.memory_space<semaphore_mem>>) src(%dma_wait3A_526 : memref<384xf32, #tpu.memory_space<vmem>>) dst(%dma_wait3A_523 : memref<384xf32, #tpu.memory_space<hbm>>)
        %dma_wait3A_527 = arith.constant 1 : i32
        %dma_wait3A_528 = arith.constant 1 : i32
        %dma_wait3A_529 = arith.constant 0 : i32
        %dma_wait3A_530 = arith.constant 0 : i32
        %dma_wait3A_531 = arith.constant 0 : i32
        %dma_wait3A_532 = arith.constant 0 : i32
        %dma_wait3A_533 = tpu.memref_slice %arg9[%dma_wait3A_527, %dma_wait3A_528, %dma_wait3A_532] : memref<2x2x384xf32, #tpu.memory_space<vmem>> -> memref<1x1x384xf32, #tpu.memory_space<vmem>>
        %dma_wait3A_534 = tpu.memref_squeeze %dma_wait3A_533 : memref<1x1x384xf32, #tpu.memory_space<vmem>> -> memref<384xf32, #tpu.memory_space<vmem>>
        %dma_wait3A_535 = arith.constant 0 : i32
        %dma_wait3A_536 = tpu.memref_slice %arg5[%dma_wait3A_529, %dma_wait3A_530, %dma_wait3A_531, %dma_wait3A_535] : memref<4x4x384x384xf32, #tpu.memory_space<hbm>> -> memref<1x1x1x384xf32, #tpu.memory_space<hbm>>
        %dma_wait3A_537 = tpu.memref_squeeze %dma_wait3A_536 : memref<1x1x1x384xf32, #tpu.memory_space<hbm>> -> memref<384xf32, #tpu.memory_space<hbm>>
        %dma_wait3A_538 = arith.constant 0 : i32
        %dma_wait3A_539 = tpu.memref_slice %arg5[%dma_wait3A_529, %dma_wait3A_530, %dma_wait3A_531, %dma_wait3A_538] : memref<4x4x384x384xf32, #tpu.memory_space<hbm>> -> memref<1x1x1x384xf32, #tpu.memory_space<hbm>>
        %dma_wait3A_540 = tpu.memref_squeeze %dma_wait3A_539 : memref<1x1x1x384xf32, #tpu.memory_space<hbm>> -> memref<384xf32, #tpu.memory_space<hbm>>
        %dma_wait3A_541 = arith.constant 0 : i32
        %dma_wait3A_542 = tpu.memref_slice %arg9[%dma_wait3A_527, %dma_wait3A_528, %dma_wait3A_541] : memref<2x2x384xf32, #tpu.memory_space<vmem>> -> memref<1x1x384xf32, #tpu.memory_space<vmem>>
        %dma_wait3A_543 = tpu.memref_squeeze %dma_wait3A_542 : memref<1x1x384xf32, #tpu.memory_space<vmem>> -> memref<384xf32, #tpu.memory_space<vmem>>
        tpu.wait_dma2 semaphore(%arg15 : memref<!tpu.dma_semaphore, #tpu.memory_space<semaphore_mem>>) src(%dma_wait3A_543 : memref<384xf32, #tpu.memory_space<vmem>>) dst(%dma_wait3A_540 : memref<384xf32, #tpu.memory_space<hbm>>)
      } else {
      }
      %add3A_428 = arith.constant 1 : i32
      %add3A_429 = arith.addi %add3A_183, %add3A_428 : i32
      %scan3A_430 = arith.constant 0 : i32
      %scan3A_431 = arith.constant 0 : i32
      %scan3A_432 = arith.constant 24 : i32
      %scan3A_433 = arith.addi %scan3A_431, %scan3A_432 : i32
      %scan3A_434 = arith.constant 1 : i32
      scf.for %scan3A_510 = %scan3A_431 to %scan3A_433 step %scan3A_434  : i32 {
        %mul3A_511 = arith.constant 16 : i32
        %mul3A_512 = arith.muli %scan3A_510, %mul3A_511 : i32
        %get3A = arith.constant 1 : i32
        %get3A_513 = arith.constant 0 : i32
        %get3A_514 = arith.index_cast %get3A : i32 to index
        %get3A_515 = arith.index_cast %get3A_513 : i32 to index
        %get3A_516 = arith.index_cast %mul3A_512 : i32 to index
        %get3A_517 = tpu.vector_load %arg7[%get3A_514, %get3A_515, %get3A_516] {strides = array<i32>} : memref<2x16x384xi32, #tpu.memory_space<vmem>>, vector<16xi32>,
        %mul3A_518 = arith.constant 16 : i32
        %mul3A_519 = arith.muli %scan3A_510, %mul3A_518 : i32
        %get3A_520 = arith.constant 1 : i32
        %get3A_521 = arith.constant 0 : i32
        %get3A_522 = arith.index_cast %get3A_520 : i32 to index
        %get3A_523 = arith.index_cast %get3A_521 : i32 to index
        %get3A_524 = arith.index_cast %mul3A_519 : i32 to index
        %get3A_525 = tpu.vector_load %arg8[%get3A_522, %get3A_523, %get3A_524] {strides = array<i32>} : memref<2x16x384xf32, #tpu.memory_space<vmem>>, vector<16xf32>,
        %mul3A_526 = arith.constant 16 : i32
        %mul3A_527 = arith.muli %scan3A_510, %mul3A_526 : i32
        %swap3A = arith.constant 1 : i32
        %swap3A_528 = arith.constant 0 : i32
        %swap3A_529 = arith.index_cast %swap3A : i32 to index
        %swap3A_530 = arith.index_cast %swap3A_528 : i32 to index
        %swap3A_531 = arith.index_cast %mul3A_527 : i32 to index
        %swap3A_532 = tpu.vector_load %arg9[%swap3A_529, %swap3A_530, %swap3A_531] {strides = array<i32>} : memref<2x2x384xf32, #tpu.memory_space<vmem>>, vector<16xf32>,
        tpu.vector_store %arg9[%swap3A_529, %swap3A_530, %swap3A_531], %get3A_525 {strides = array<i32>} : memref<2x2x384xf32, #tpu.memory_space<vmem>>, vector<16xf32>,
        %bitcast3A = vector.bitcast %get3A_517 : vector<16xi32> to vector<16xf32>
        %mul3A_533 = arith.constant 16 : i32
        %mul3A_534 = arith.muli %scan3A_510, %mul3A_533 : i32
        %swap3A_535 = arith.constant 1 : i32
        %swap3A_536 = arith.constant 1 : i32
        %swap3A_537 = arith.index_cast %swap3A_535 : i32 to index
        %swap3A_538 = arith.index_cast %swap3A_536 : i32 to index
        %swap3A_539 = arith.index_cast %mul3A_534 : i32 to index
        %swap3A_540 = tpu.vector_load %arg9[%swap3A_537, %swap3A_538, %swap3A_539] {strides = array<i32>} : memref<2x2x384xf32, #tpu.memory_space<vmem>>, vector<16xf32>,
        tpu.vector_store %arg9[%swap3A_537, %swap3A_538, %swap3A_539], %bitcast3A {strides = array<i32>} : memref<2x2x384xf32, #tpu.memory_space<vmem>>, vector<16xf32>,
      }
      %scan3A_435 = arith.constant 24 : i32
      %jit3A_436 = arith.constant 384 : i32
      %div3A_437 = arith.divsi %add3A_429, %jit3A_436 : i32
      %sign3A_438 = arith.constant 0 : i32
      %sign3A_439 = arith.cmpi sgt, %add3A_429, %sign3A_438 : i32
      %sign3A_440 = arith.extui %sign3A_439 : i1 to i32
      %sign3A_441 = arith.constant 0 : i32
      %sign3A_442 = arith.cmpi slt, %add3A_429, %sign3A_441 : i32
      %sign3A_443 = arith.extui %sign3A_442 : i1 to i32
      %sign3A_444 = arith.subi %sign3A_440, %sign3A_443 : i32
      %sign3A_445 = arith.constant 0 : i32
      %sign3A_446 = arith.cmpi sgt, %jit3A_436, %sign3A_445 : i32
      %sign3A_447 = arith.extui %sign3A_446 : i1 to i32
      %sign3A_448 = arith.constant 0 : i32
      %sign3A_449 = arith.cmpi slt, %jit3A_436, %sign3A_448 : i32
      %sign3A_450 = arith.extui %sign3A_449 : i1 to i32
      %sign3A_451 = arith.subi %sign3A_447, %sign3A_450 : i32
      %ne3A_452 = arith.cmpi ne, %sign3A_444, %sign3A_451 : i32
      %rem3A_453 = arith.remsi %add3A_429, %jit3A_436 : i32
      %ne3A_454 = arith.constant 0 : i32
      %ne3A_455 = arith.cmpi ne, %rem3A_453, %ne3A_454 : i32
      %and3A_456 = arith.andi %ne3A_452, %ne3A_455 : i1
      %sub3A_457 = arith.constant 1 : i32
      %sub3A_458 = arith.subi %div3A_437, %sub3A_457 : i32
      %select_n3A_459 = arith.select %and3A_456, %sub3A_458, %div3A_437 : i32
      %jit3A_460 = arith.constant 384 : i32
      %eq3A_461 = arith.constant 0 : i32
      %eq3A_462 = arith.cmpi eq, %jit3A_460, %eq3A_461 : i32
      %jit3A_463 = arith.constant 1 : i32
      %select_n3A_464 = arith.select %eq3A_462, %jit3A_463, %jit3A_460 : i32
      %rem3A_465 = arith.remsi %add3A_429, %select_n3A_464 : i32
      %ne3A_466 = arith.constant 0 : i32
      %ne3A_467 = arith.cmpi ne, %rem3A_465, %ne3A_466 : i32
      %lt3A_468 = arith.constant 0 : i32
      %lt3A_469 = arith.cmpi slt, %rem3A_465, %lt3A_468 : i32
      %lt3A_470 = arith.constant 0 : i32
      %lt3A_471 = arith.cmpi slt, %select_n3A_464, %lt3A_470 : i32
      %ne3A_472 = arith.xori %lt3A_469, %lt3A_471 : i1
      %and3A_473 = arith.andi %ne3A_472, %ne3A_467 : i1
      %add3A_474 = arith.addi %rem3A_465, %select_n3A_464 : i32
      %select_n3A_475 = arith.select %and3A_473, %add3A_474, %rem3A_465 : i32
      %mul3A_476 = arith.constant 2 : i32
      %mul3A_477 = arith.muli %mul3A_476, %select_n3A_9 : i32
      %dma_start3A_478 = arith.constant 1 : i32
      %dma_start3A_479 = arith.constant 0 : i32
      %dma_start3A_480 = arith.constant 0 : i32
      %dma_start3A_481 = tpu.memref_slice %arg9[%dma_start3A_478, %dma_start3A_479, %dma_start3A_480] : memref<2x2x384xf32, #tpu.memory_space<vmem>> -> memref<1x1x384xf32, #tpu.memory_space<vmem>>
      %dma_start3A_482 = tpu.memref_squeeze %dma_start3A_481 : memref<1x1x384xf32, #tpu.memory_space<vmem>> -> memref<384xf32, #tpu.memory_space<vmem>>
      %dma_start3A_483 = arith.constant 0 : i32
      %dma_start3A_484 = tpu.memref_slice %arg5[%select_n3A_459, %mul3A_477, %select_n3A_475, %dma_start3A_483] : memref<4x4x384x384xf32, #tpu.memory_space<hbm>> -> memref<1x1x1x384xf32, #tpu.memory_space<hbm>>
      %dma_start3A_485 = tpu.memref_squeeze %dma_start3A_484 : memref<1x1x1x384xf32, #tpu.memory_space<hbm>> -> memref<384xf32, #tpu.memory_space<hbm>>
      %dma_start3A_486 = arith.constant 0 : i32
      %dma_start3A_487 = tpu.memref_slice %arg5[%select_n3A_459, %mul3A_477, %select_n3A_475, %dma_start3A_486] : memref<4x4x384x384xf32, #tpu.memory_space<hbm>> -> memref<1x1x1x384xf32, #tpu.memory_space<hbm>>
      %dma_start3A_488 = tpu.memref_squeeze %dma_start3A_487 : memref<1x1x1x384xf32, #tpu.memory_space<hbm>> -> memref<384xf32, #tpu.memory_space<hbm>>
      %dma_start3A_489 = arith.constant 0 : i32
      %dma_start3A_490 = tpu.memref_slice %arg9[%dma_start3A_478, %dma_start3A_479, %dma_start3A_489] : memref<2x2x384xf32, #tpu.memory_space<vmem>> -> memref<1x1x384xf32, #tpu.memory_space<vmem>>
      %dma_start3A_491 = tpu.memref_squeeze %dma_start3A_490 : memref<1x1x384xf32, #tpu.memory_space<vmem>> -> memref<384xf32, #tpu.memory_space<vmem>>
      tpu.enqueue_dma source(%dma_start3A_491 : memref<384xf32, #tpu.memory_space<vmem>>) target(%dma_start3A_488 : memref<384xf32, #tpu.memory_space<hbm>>) target_semaphore(%arg15 : memref<!tpu.dma_semaphore, #tpu.memory_space<semaphore_mem>>)
      %mul3A_492 = arith.constant 2 : i32
      %mul3A_493 = arith.muli %mul3A_492, %select_n3A_9 : i32
      %add3A_494 = arith.constant 1 : i32
      %add3A_495 = arith.addi %mul3A_493, %add3A_494 : i32
      %dma_start3A_496 = arith.constant 1 : i32
      %dma_start3A_497 = arith.constant 1 : i32
      %dma_start3A_498 = arith.constant 0 : i32
      %dma_start3A_499 = tpu.memref_slice %arg9[%dma_start3A_496, %dma_start3A_497, %dma_start3A_498] : memref<2x2x384xf32, #tpu.memory_space<vmem>> -> memref<1x1x384xf32, #tpu.memory_space<vmem>>
      %dma_start3A_500 = tpu.memref_squeeze %dma_start3A_499 : memref<1x1x384xf32, #tpu.memory_space<vmem>> -> memref<384xf32, #tpu.memory_space<vmem>>
      %dma_start3A_501 = arith.constant 0 : i32
      %dma_start3A_502 = tpu.memref_slice %arg5[%select_n3A_459, %add3A_495, %select_n3A_475, %dma_start3A_501] : memref<4x4x384x384xf32, #tpu.memory_space<hbm>> -> memref<1x1x1x384xf32, #tpu.memory_space<hbm>>
      %dma_start3A_503 = tpu.memref_squeeze %dma_start3A_502 : memref<1x1x1x384xf32, #tpu.memory_space<hbm>> -> memref<384xf32, #tpu.memory_space<hbm>>
      %dma_start3A_504 = arith.constant 0 : i32
      %dma_start3A_505 = tpu.memref_slice %arg5[%select_n3A_459, %add3A_495, %select_n3A_475, %dma_start3A_504] : memref<4x4x384x384xf32, #tpu.memory_space<hbm>> -> memref<1x1x1x384xf32, #tpu.memory_space<hbm>>
      %dma_start3A_506 = tpu.memref_squeeze %dma_start3A_505 : memref<1x1x1x384xf32, #tpu.memory_space<hbm>> -> memref<384xf32, #tpu.memory_space<hbm>>
      %dma_start3A_507 = arith.constant 0 : i32
      %dma_start3A_508 = tpu.memref_slice %arg9[%dma_start3A_496, %dma_start3A_497, %dma_start3A_507] : memref<2x2x384xf32, #tpu.memory_space<vmem>> -> memref<1x1x384xf32, #tpu.memory_space<vmem>>
      %dma_start3A_509 = tpu.memref_squeeze %dma_start3A_508 : memref<1x1x384xf32, #tpu.memory_space<vmem>> -> memref<384xf32, #tpu.memory_space<vmem>>
      tpu.enqueue_dma source(%dma_start3A_509 : memref<384xf32, #tpu.memory_space<vmem>>) target(%dma_start3A_506 : memref<384xf32, #tpu.memory_space<hbm>>) target_semaphore(%arg15 : memref<!tpu.dma_semaphore, #tpu.memory_space<semaphore_mem>>)
    }
    %scan3A_112 = arith.constant 48 : i32
    %dma_wait3A = arith.constant 0 : i32
    %dma_wait3A_113 = arith.constant 0 : i32
    %dma_wait3A_114 = arith.constant 0 : i32
    %dma_wait3A_115 = arith.constant 0 : i32
    %dma_wait3A_116 = arith.constant 0 : i32
    %dma_wait3A_117 = arith.constant 0 : i32
    %dma_wait3A_118 = tpu.memref_slice %arg9[%dma_wait3A, %dma_wait3A_113, %dma_wait3A_117] : memref<2x2x384xf32, #tpu.memory_space<vmem>> -> memref<1x1x384xf32, #tpu.memory_space<vmem>>
    %dma_wait3A_119 = tpu.memref_squeeze %dma_wait3A_118 : memref<1x1x384xf32, #tpu.memory_space<vmem>> -> memref<384xf32, #tpu.memory_space<vmem>>
    %dma_wait3A_120 = arith.constant 0 : i32
    %dma_wait3A_121 = tpu.memref_slice %arg5[%dma_wait3A_114, %dma_wait3A_115, %dma_wait3A_116, %dma_wait3A_120] : memref<4x4x384x384xf32, #tpu.memory_space<hbm>> -> memref<1x1x1x384xf32, #tpu.memory_space<hbm>>
    %dma_wait3A_122 = tpu.memref_squeeze %dma_wait3A_121 : memref<1x1x1x384xf32, #tpu.memory_space<hbm>> -> memref<384xf32, #tpu.memory_space<hbm>>
    %dma_wait3A_123 = arith.constant 0 : i32
    %dma_wait3A_124 = tpu.memref_slice %arg5[%dma_wait3A_114, %dma_wait3A_115, %dma_wait3A_116, %dma_wait3A_123] : memref<4x4x384x384xf32, #tpu.memory_space<hbm>> -> memref<1x1x1x384xf32, #tpu.memory_space<hbm>>
    %dma_wait3A_125 = tpu.memref_squeeze %dma_wait3A_124 : memref<1x1x1x384xf32, #tpu.memory_space<hbm>> -> memref<384xf32, #tpu.memory_space<hbm>>
    %dma_wait3A_126 = arith.constant 0 : i32
    %dma_wait3A_127 = tpu.memref_slice %arg9[%dma_wait3A, %dma_wait3A_113, %dma_wait3A_126] : memref<2x2x384xf32, #tpu.memory_space<vmem>> -> memref<1x1x384xf32, #tpu.memory_space<vmem>>
    %dma_wait3A_128 = tpu.memref_squeeze %dma_wait3A_127 : memref<1x1x384xf32, #tpu.memory_space<vmem>> -> memref<384xf32, #tpu.memory_space<vmem>>
    tpu.wait_dma2 semaphore(%arg14 : memref<!tpu.dma_semaphore, #tpu.memory_space<semaphore_mem>>) src(%dma_wait3A_128 : memref<384xf32, #tpu.memory_space<vmem>>) dst(%dma_wait3A_125 : memref<384xf32, #tpu.memory_space<hbm>>)
    %dma_wait3A_129 = arith.constant 0 : i32
    %dma_wait3A_130 = arith.constant 1 : i32
    %dma_wait3A_131 = arith.constant 0 : i32
    %dma_wait3A_132 = arith.constant 0 : i32
    %dma_wait3A_133 = arith.constant 0 : i32
    %dma_wait3A_134 = arith.constant 0 : i32
    %dma_wait3A_135 = tpu.memref_slice %arg9[%dma_wait3A_129, %dma_wait3A_130, %dma_wait3A_134] : memref<2x2x384xf32, #tpu.memory_space<vmem>> -> memref<1x1x384xf32, #tpu.memory_space<vmem>>
    %dma_wait3A_136 = tpu.memref_squeeze %dma_wait3A_135 : memref<1x1x384xf32, #tpu.memory_space<vmem>> -> memref<384xf32, #tpu.memory_space<vmem>>
    %dma_wait3A_137 = arith.constant 0 : i32
    %dma_wait3A_138 = tpu.memref_slice %arg5[%dma_wait3A_131, %dma_wait3A_132, %dma_wait3A_133, %dma_wait3A_137] : memref<4x4x384x384xf32, #tpu.memory_space<hbm>> -> memref<1x1x1x384xf32, #tpu.memory_space<hbm>>
    %dma_wait3A_139 = tpu.memref_squeeze %dma_wait3A_138 : memref<1x1x1x384xf32, #tpu.memory_space<hbm>> -> memref<384xf32, #tpu.memory_space<hbm>>
    %dma_wait3A_140 = arith.constant 0 : i32
    %dma_wait3A_141 = tpu.memref_slice %arg5[%dma_wait3A_131, %dma_wait3A_132, %dma_wait3A_133, %dma_wait3A_140] : memref<4x4x384x384xf32, #tpu.memory_space<hbm>> -> memref<1x1x1x384xf32, #tpu.memory_space<hbm>>
    %dma_wait3A_142 = tpu.memref_squeeze %dma_wait3A_141 : memref<1x1x1x384xf32, #tpu.memory_space<hbm>> -> memref<384xf32, #tpu.memory_space<hbm>>
    %dma_wait3A_143 = arith.constant 0 : i32
    %dma_wait3A_144 = tpu.memref_slice %arg9[%dma_wait3A_129, %dma_wait3A_130, %dma_wait3A_143] : memref<2x2x384xf32, #tpu.memory_space<vmem>> -> memref<1x1x384xf32, #tpu.memory_space<vmem>>
    %dma_wait3A_145 = tpu.memref_squeeze %dma_wait3A_144 : memref<1x1x384xf32, #tpu.memory_space<vmem>> -> memref<384xf32, #tpu.memory_space<vmem>>
    tpu.wait_dma2 semaphore(%arg14 : memref<!tpu.dma_semaphore, #tpu.memory_space<semaphore_mem>>) src(%dma_wait3A_145 : memref<384xf32, #tpu.memory_space<vmem>>) dst(%dma_wait3A_142 : memref<384xf32, #tpu.memory_space<hbm>>)
    %dma_wait3A_146 = arith.constant 1 : i32
    %dma_wait3A_147 = arith.constant 0 : i32
    %dma_wait3A_148 = arith.constant 0 : i32
    %dma_wait3A_149 = arith.constant 0 : i32
    %dma_wait3A_150 = arith.constant 0 : i32
    %dma_wait3A_151 = arith.constant 0 : i32
    %dma_wait3A_152 = tpu.memref_slice %arg9[%dma_wait3A_146, %dma_wait3A_147, %dma_wait3A_151] : memref<2x2x384xf32, #tpu.memory_space<vmem>> -> memref<1x1x384xf32, #tpu.memory_space<vmem>>
    %dma_wait3A_153 = tpu.memref_squeeze %dma_wait3A_152 : memref<1x1x384xf32, #tpu.memory_space<vmem>> -> memref<384xf32, #tpu.memory_space<vmem>>
    %dma_wait3A_154 = arith.constant 0 : i32
    %dma_wait3A_155 = tpu.memref_slice %arg5[%dma_wait3A_148, %dma_wait3A_149, %dma_wait3A_150, %dma_wait3A_154] : memref<4x4x384x384xf32, #tpu.memory_space<hbm>> -> memref<1x1x1x384xf32, #tpu.memory_space<hbm>>
    %dma_wait3A_156 = tpu.memref_squeeze %dma_wait3A_155 : memref<1x1x1x384xf32, #tpu.memory_space<hbm>> -> memref<384xf32, #tpu.memory_space<hbm>>
    %dma_wait3A_157 = arith.constant 0 : i32
    %dma_wait3A_158 = tpu.memref_slice %arg5[%dma_wait3A_148, %dma_wait3A_149, %dma_wait3A_150, %dma_wait3A_157] : memref<4x4x384x384xf32, #tpu.memory_space<hbm>> -> memref<1x1x1x384xf32, #tpu.memory_space<hbm>>
    %dma_wait3A_159 = tpu.memref_squeeze %dma_wait3A_158 : memref<1x1x1x384xf32, #tpu.memory_space<hbm>> -> memref<384xf32, #tpu.memory_space<hbm>>
    %dma_wait3A_160 = arith.constant 0 : i32
    %dma_wait3A_161 = tpu.memref_slice %arg9[%dma_wait3A_146, %dma_wait3A_147, %dma_wait3A_160] : memref<2x2x384xf32, #tpu.memory_space<vmem>> -> memref<1x1x384xf32, #tpu.memory_space<vmem>>
    %dma_wait3A_162 = tpu.memref_squeeze %dma_wait3A_161 : memref<1x1x384xf32, #tpu.memory_space<vmem>> -> memref<384xf32, #tpu.memory_space<vmem>>
    tpu.wait_dma2 semaphore(%arg15 : memref<!tpu.dma_semaphore, #tpu.memory_space<semaphore_mem>>) src(%dma_wait3A_162 : memref<384xf32, #tpu.memory_space<vmem>>) dst(%dma_wait3A_159 : memref<384xf32, #tpu.memory_space<hbm>>)
    %dma_wait3A_163 = arith.constant 1 : i32
    %dma_wait3A_164 = arith.constant 1 : i32
    %dma_wait3A_165 = arith.constant 0 : i32
    %dma_wait3A_166 = arith.constant 0 : i32
    %dma_wait3A_167 = arith.constant 0 : i32
    %dma_wait3A_168 = arith.constant 0 : i32
    %dma_wait3A_169 = tpu.memref_slice %arg9[%dma_wait3A_163, %dma_wait3A_164, %dma_wait3A_168] : memref<2x2x384xf32, #tpu.memory_space<vmem>> -> memref<1x1x384xf32, #tpu.memory_space<vmem>>
    %dma_wait3A_170 = tpu.memref_squeeze %dma_wait3A_169 : memref<1x1x384xf32, #tpu.memory_space<vmem>> -> memref<384xf32, #tpu.memory_space<vmem>>
    %dma_wait3A_171 = arith.constant 0 : i32
    %dma_wait3A_172 = tpu.memref_slice %arg5[%dma_wait3A_165, %dma_wait3A_166, %dma_wait3A_167, %dma_wait3A_171] : memref<4x4x384x384xf32, #tpu.memory_space<hbm>> -> memref<1x1x1x384xf32, #tpu.memory_space<hbm>>
    %dma_wait3A_173 = tpu.memref_squeeze %dma_wait3A_172 : memref<1x1x1x384xf32, #tpu.memory_space<hbm>> -> memref<384xf32, #tpu.memory_space<hbm>>
    %dma_wait3A_174 = arith.constant 0 : i32
    %dma_wait3A_175 = tpu.memref_slice %arg5[%dma_wait3A_165, %dma_wait3A_166, %dma_wait3A_167, %dma_wait3A_174] : memref<4x4x384x384xf32, #tpu.memory_space<hbm>> -> memref<1x1x1x384xf32, #tpu.memory_space<hbm>>
    %dma_wait3A_176 = tpu.memref_squeeze %dma_wait3A_175 : memref<1x1x1x384xf32, #tpu.memory_space<hbm>> -> memref<384xf32, #tpu.memory_space<hbm>>
    %dma_wait3A_177 = arith.constant 0 : i32
    %dma_wait3A_178 = tpu.memref_slice %arg9[%dma_wait3A_163, %dma_wait3A_164, %dma_wait3A_177] : memref<2x2x384xf32, #tpu.memory_space<vmem>> -> memref<1x1x384xf32, #tpu.memory_space<vmem>>
    %dma_wait3A_179 = tpu.memref_squeeze %dma_wait3A_178 : memref<1x1x384xf32, #tpu.memory_space<vmem>> -> memref<384xf32, #tpu.memory_space<vmem>>
    tpu.wait_dma2 semaphore(%arg15 : memref<!tpu.dma_semaphore, #tpu.memory_space<semaphore_mem>>) src(%dma_wait3A_179 : memref<384xf32, #tpu.memory_space<vmem>>) dst(%dma_wait3A_176 : memref<384xf32, #tpu.memory_space<hbm>>)
    return
  }
}

</mosaic_0001>

<sc_bundles>
// kernel: _run.3.cloned.1.call-start
scs
__scs_entry_jumppad:
0x0: {  	(pc) =	sbr.rel $0x88, $3  }
0x1: {  	(tag) =	ssettag $0x0;
	lr =	simm.s32 $0x1  }
0x2: {  	[smem:$0x3F9E] =	sst lr;
	_ =	strace $0xD0000000  }
0x3: {  	_ = 	snop  }
0x4: {  	_ = 	snop  }
0x5: {  	_ = 	snop  }
0x6: {  	_ = 	snop  }
0x7: {  	_ = 	snop  }
__scs_overlays_trampoline_lowered:
0x8: {  	[smem:$0x3FAD] =	sst s0  }
0x9: {  	[smem:$0x3FAE] =	sst s1  }
0xa: {  	[smem:$0x3FAF] =	sst s2  }
0xb: {  	[smem:$0x3FB0] =	sst s3  }
0xc: {  	[smem:$0x3FB1] =	sst s4  }
0xd: {  	[smem:$0x3FB2] =	sst s5  }
0xe: {  	[smem:$0x3FB3] =	sst s6  }
0xf: {  	[smem:$0x3FB4] =	sst s7  }
0x10: {  	[smem:$0x3FB5] =	sst s8  }
0x11: {  	[smem:$0x3FB6] =	sst s9;
	s0 =	simm.s32 @!p0 $0x0  }
0x12: {  	s1 =	sld [smem:$0x3F9C];
	s0 =	simm.s32 @p0 $0x1  }
0x13: {  	[smem:$0x3FB7] =	sst s0;
	s0 =	simm.s32 @!p1 $0x0  }
0x14: {  	s2 =	sld [smem:$0x3F9B];
	s0 =	simm.s32 @p1 $0x1  }
0x15: {  	[smem:$0x3FB8] =	sst s0;
	s0 =	simm.s32 @!p2 $0x0  }
0x16: {  	s3 =	sld [smem:$0x3FDB];
	s0 =	simm.s32 @p2 $0x1  }
0x17: {  	s4 =	simm.s32 $0x1BF5;
	[smem:$0x3FBA] =	sst s0  }
0x18: {  	s0 =	sld [smem:$0x3F9D];
	_ =	swait.ge [sflag:s4], $0x0  }
0x19: {  	s7 =	sld [smem:$0x3F9E]  }
0x1a: {  	s8 =	sadd.s32 $0xFFFFE003, lr  }
0x1b: {  	s9 =	sadd.s32 $0xFFFFFEF7, lr;
	s5 =	simm.s32 $0xFFFFFFFF;
	p2 =	slt.u32 s8, $0xFFFFF086  }
0x1c: {  	p1 =	slt.u32 s9, $0xF7A;
	s5 =	simm.s32 @!p2 $0x0  }
0x1d: {  	s5 =	simm.s32 @p1 $0x1;
	p0 =	seq.s32 s7, s2  }
0x1e: {  	s7 =	smul.u32 @!p0 $0xF7A, s2;
	p2 =	seq.s32 @!p0 s5, $0x0  }
0x1f: {  	s9 =	smul.u32 $0xF7A, s1;
	s8 =	simm.s32 @!p0 $0x1BF5;
	p2 =	por !p2, p0  }
0x20: {  	[sflag:s8] =	ssyncset.s32 @!p0 $0xFFFFF086;
	s6 =	sadd.s32 @!p0 s3, s7;
	s7 =	simm.s32 @!p0 $0x108  }
0x21: {  	s3 =	sadd.s32 s3, s9;
	s6 =	sadd.s32 @!p0 $0x88, s6;
	s7 =	simm.s32 @p2 $0x1082  }
0x22: {  	[simem:s7], [sflag:s8] =	dma.local @!p0 [hbm:s6], $0xF7A  }
0x23: {  	s9 =	sor.u32 $0xD0000000, s2;
	s6 =	simm.s32 $0x108;
	_ =	swait.ge @!p0 [sflag:s8], $0x0  }
0x24: {  	s3 =	sadd.s32 $0x88, s3;
	s6 =	simm.s32 @!p1 $0x1082;
	[sflag:s4] =	ssyncset.s32 $0xFFFFF086  }
0x25: {  	[simem:s6], [sflag:s4] =	dma.local [hbm:s3], $0xF7A  }
0x26: {  	[smem:$0x3F9E] =	sst s1;
	(tag) =	ssettag s2;
	_ =	strace s9  }
0x27: {  	s1 =	sld [smem:$0x3FAE]  }
0x28: {  	s2 =	sld [smem:$0x3FAF]  }
0x29: {  	s4 =	sld [smem:$0x3FB1]  }
0x2a: {  	p0 =	seq.s32 s5, $0x0;
	s5 =	sld [smem:$0x3FB2]  }
0x2b: {  	s6 =	sld [smem:$0x3FB3]  }
0x2c: {  	s7 =	sld [smem:$0x3FB4]  }
0x2d: {  	s3 =	simm.s32 $0x108;
	s8 =	sld [smem:$0x3FB5]  }
0x2e: {  	s3 =	simm.s32 @!p0 $0x1082;
	s9 =	sld [smem:$0x3FB6]  }
0x2f: {  	lr =	sadd.s32 s0, s3;
	s0 =	sld [smem:$0x3FAD]  }
0x30: {  	s3 =	sld [smem:$0x3FB0]  }
0x31: {  	[smem:$0x3FB9] =	sst s10  }
0x32: {  	s10 =	sld [smem:$0x3FB7];
	_ =	sdelay $0x3  }
0x33: {  	p0 =	seq.s32 s10, $0x1;
	s10 =	sld [smem:$0x3FB9];
	_ =	sdelay $0x3  }
0x34: {  	[smem:$0x3FB9] =	sst s10  }
0x35: {  	s10 =	sld [smem:$0x3FB8];
	_ =	sdelay $0x3  }
0x36: {  	p1 =	seq.s32 s10, $0x1;
	s10 =	sld [smem:$0x3FB9];
	_ =	sdelay $0x3  }
0x37: {  	[smem:$0x3FB9] =	sst s10  }
0x38: {  	s10 =	sld [smem:$0x3FBA]  }
0x39: {  	_ = 	snop;
	(pc) =	sbr.ind lr, $3  }
0x3a: {  	_ = 	snop  }
0x3b: {  	_ = 	snop  }
0x3c: {  	p2 =	seq.s32 s10, $0x1;
	s10 =	sld [smem:$0x3FB9]  }
0x3d: {  	_ =	shalt  }
0x3e: {  	_ =	shalt  }
0x3f: {  	_ =	shalt  }
0x40: {  	_ =	shalt  }
0x41: {  	_ =	shalt  }
0x42: {  	_ =	shalt  }
0x43: {  	_ =	shalt  }
0x44: {  	_ =	shalt  }
0x45: {  	_ =	shalt  }
0x46: {  	_ =	shalt  }
0x47: {  	_ =	shalt  }
0x48: {  	_ =	shalt  }
0x49: {  	_ =	shalt  }
0x4a: {  	_ =	shalt  }
0x4b: {  	_ =	shalt  }
0x4c: {  	_ =	shalt  }
0x4d: {  	_ =	shalt  }
0x4e: {  	_ =	shalt  }
0x4f: {  	_ =	shalt  }
0x50: {  	_ =	shalt  }
0x51: {  	_ =	shalt  }
0x52: {  	_ =	shalt  }
0x53: {  	_ =	shalt  }
0x54: {  	_ =	shalt  }
0x55: {  	_ =	shalt  }
0x56: {  	_ =	shalt  }
0x57: {  	_ =	shalt  }
0x58: {  	_ =	shalt  }
0x59: {  	_ =	shalt  }
0x5a: {  	_ =	shalt  }
0x5b: {  	_ =	shalt  }
0x5c: {  	_ =	shalt  }
0x5d: {  	_ =	shalt  }
0x5e: {  	_ =	shalt  }
0x5f: {  	_ =	shalt  }
0x60: {  	_ =	shalt  }
0x61: {  	_ =	shalt  }
0x62: {  	_ =	shalt  }
0x63: {  	_ =	shalt  }
0x64: {  	_ =	shalt  }
0x65: {  	_ =	shalt  }
0x66: {  	_ =	shalt  }
0x67: {  	_ =	shalt  }
0x68: {  	_ =	shalt  }
0x69: {  	_ =	shalt  }
0x6a: {  	_ =	shalt  }
0x6b: {  	_ =	shalt  }
0x6c: {  	_ =	shalt  }
0x6d: {  	_ =	shalt  }
0x6e: {  	_ =	shalt  }
0x6f: {  	_ =	shalt  }
0x70: {  	_ =	shalt  }
0x71: {  	_ =	shalt  }
0x72: {  	_ =	shalt  }
0x73: {  	_ =	shalt  }
0x74: {  	_ =	shalt  }
0x75: {  	_ =	shalt  }
0x76: {  	_ =	shalt  }
0x77: {  	_ =	shalt  }
0x78: {  	_ =	shalt  }
0x79: {  	_ =	shalt  }
0x7a: {  	_ =	shalt  }
0x7b: {  	_ =	shalt  }
0x7c: {  	_ =	shalt  }
0x7d: {  	_ =	shalt  }
0x7e: {  	_ =	shalt  }
0x7f: {  	_ =	shalt  }
0x80: {  	_ =	shalt  }
0x81: {  	_ =	shalt  }
0x82: {  	_ =	shalt  }
0x83: {  	_ =	shalt  }
0x84: {  	_ =	shalt  }
0x85: {  	_ =	shalt  }
0x86: {  	_ =	shalt  }
0x87: {  	_ =	shalt  }
.Lfunc_end0:
.L_simem_size_0:
called_computation_lowered:
.L_overlay_start_0:
0x88: {  	s2 =	sld [smem:$0x3FD9]  }
0x89: {  	s3 =	sld [smem:$0x3FFE];
	_ =	sdelay $0x1  }
0x8a: {  	s1 =	srdreg.scid  }
0x8b: {  	s0 =	sand.u32 $0x1, s1  }
0x8c: {  	s18 =	sshll.u32 s0, $0xA;
	s2 =	sadd.s32 s3, s2  }
0x8d: {  	s2 =	sadd.s32 s2, s18  }
0x8e: {  	[smem:$0x3FC5] =	sst s2  }
0x8f: {  	_ = 	snop  }
0x90: {  	s2 =	sld [smem:$0x3FC9]  }
0x91: {  	s19 =	sld [smem:$0x3FC8]  }
0x92: {  	s4 =	sld [smem:$0x3FC7]  }
0x93: {  	s5 =	sld [smem:$0x3FD0];
	(tm) =	ssettm $0x1  }
0x94: {  	s6 =	sld [smem:$0x3FFB];
	_ =	sdelay $0x3  }
0x95: {  	_ =	strace s6  }
0x96: {  	s6 =	sld [smem:$0x3FFC];
	_ =	sdelay $0x3  }
0x97: {  	_ =	strace s6  }
0x98: {  	s6 =	sld [smem:$0x3FFD];
	_ =	sdelay $0x3  }
0x99: {  	_ =	strace s6  }
0x9a: {  	_ =	strace $0x8FFFFFFF  }
0x9b: {  	s20 =	sld [smem:$0x3FDB];
	_ =	sdelay $0x1  }
0x9c: {  	s7 =	simm.s32 $_scs_section_size  }
0x9d: {  	s8 =	simm.s32 $_size__tile_overlayer_lowered;
	s9 =	simm.s32 $_tile_overlayer_lowered  }
0x9e: {  	s23 =	simm.s32 $0x1BFF;
	s22 =	sshll.u32 s9, $0x1;
	s6 =	sadd.s32 s7, s20  }
0x9f: {  	s10 =	simm.s32 $0x0;
	s21 =	sshll.u32 s8, $0x1;
	s8 =	sadd.s32 s22, s6  }
0xa0: {  	[timem:s10], [sflag:s23] =	dma.local [hbm:s8], s21  }
0xa1: {  	_ =	swait.ge [sflag:s23], s21  }
0xa2: {  	s7 =	ssub.s32 $0x0, s21;
	[sflag:s23] =	ssyncset.done $0x0  }
0xa3: {  	[sflag:s23] =	ssyncadd.s32 s7;
	_ =	sdelay $0x1  }
0xa4: {  	s24 =	simm.s32 $0x1B8B  }
0xa5: {  	_ =	swait.ge [sflag:s24], $0x1  }
0xa6: {  	[sflag:s24] =	ssyncset.done $0x0  }
0xa7: {  	s25 =	simm.s32 $0x1B8E;
	[sflag:s24] =	ssyncadd.s32 $0xFFFFFFFF  }
0xa8: {  	s26 =	simm.s32 $execute0_lowered;
	[smem:$0x3FD2] =	sst s25  }
0xa9: {  	s7 =	sshll.u32 s26, $0x1;
	_ =	strace $0x80000046;
	[dreg:$0x1] =	wrdreg $0xFFFFFFFF  }
0xaa: {  	s28 =	simm.s32 $_size_execute0_lowered;
	s6 =	sadd.s32 s6, s7;
	[dreg:$0x0] =	wrdreg $0x0  }
0xab: {  	s7 =	sshll.u32 s28, $0x1;
	[dreg:$0x2] =	wrdreg s6  }
0xac: {  	[dreg:$0x3] =	wrdreg s7  }
0xad: {  	[dreg:$0x4] =	wrdreg $0xC0  }
0xae: {  	_ =	task [dreg:s10], $0x5FFFF  }
0xaf: {  	[dreg:$0x1] =	wrdreg $0xFFFFFFFF  }
0xb0: {  	[dreg:$0x0] =	wrdreg $0x60  }
0xb1: {  	[dreg:$0x2] =	wrdreg s2  }
0xb2: {  	[dreg:$0x3] =	wrdreg s19  }
0xb3: {  	[dreg:$0x4] =	wrdreg s4  }
0xb4: {  	[dreg:$0x5] =	wrdreg s5  }
0xb5: {  	[dreg:$0x6] =	wrdreg $0x9  }
0xb6: {  	_ =	task.clear_ibuf [dreg:s10], $0x7FFFF;
	_ =	strace $0x90000046  }
0xb7: {  	s29 =	simm.s32 $0x9;
	_ =	strace $0x80000048  }
0xb8: {  	_ =	swait.ge [sflag:s29], $0x1  }
0xb9: {  	[sflag:s29] =	ssyncadd.s32 $0xFFFFFFFF  }
0xba: {  	_ =	strace $0x90000048  }
0xbb: {  	_ =	sfence  }
0xbc: {  	s30 =	sld [smem:$0x0];
	_ =	sdelay $0x2  }
0xbd: {  	s31 =	sshll.u32 s1, $0xD;
	s1 =	sshrl.u32 s1, $0x2  }
0xbe: {  	s3 =	sand.u32 $0x4000, s31;
	s1 =	sadd.s32 s1, s30  }
0xbf: {  	s0 =	sor.u32 s3, s0;
	s1 =	sshll.u32 s1, $0x11  }
0xc0: {  	s0 =	sor.u32 s1, s0  }
0xc1: {  	s0 =	sadd.s32 $0x8F2B, s0  }
0xc2: {  	[sflag:s0] =	ssyncadd.remote.s32 $0x1  }
0xc3: {  	_ =	sfence.sel $0xFFFF  }
0xc4: {  	[dreg:$0x0] =	wrdreg $0xFFFFFFFF;
	(pc) =	sbr.abs _section_cstart, $3  }
0xc5: {  	[dreg:$0x1] =	wrdreg $0xFFFFFFFF  }
0xc6: {  	_ =	task.clear_ibuf [dreg:s10], $0x2FFFF;
	_ =	strace $0x9FFFFFFF  }
0xc7: {  	(tm) =	ssettm $0x7FFFFFFF  }
tec
execute0_lowered:
.L_overlay_start_1:
0x0: {  	(tag) =	ssettag $0x1  }
0x1: {  	s0 =	srdreg.scid  }
0x2: {  	s2 =	stileid.u32;
	s0 =	sand.u32 $0x1, s0  }
0x3: {  	s1 =	sor.u32 s0, s2  }
0x4: {  	p0 =	seq.s32 s0, $0x1;
	p1 =	seq.s32 s1, $0x0  }
0x5: {  	p0 =	por !p1, !p0  }
0x6: {  	s1 =	simm.s32 $0x1;
	p0 =	por !p0, !p0  }
0x7: {  	s1 =	simm.s32 @!p0 $0x0  }
0x8: {  	s5 =	ssub.s32 s2, s1  }
0x9: {  	s1 =	smul.u32 $0x100020, s5;
	_ =	sdelay $0x1  }
0xa: {  	s21 =	sshrl.u32 s1, $0x1F;
	s3 =	sshra.s32 s1, $0x16  }
0xb: {  	s9 =	rddreg [dreg:$0x2];
	s1 =	smul.u32 $0x60, s5;
	s3 =	sadd.s32 s21, s3  }
0xc: {  	s15 =	simm.s32 $0x80;
	s16 =	simm.s32 $0x24000;
	s4 =	smul.u32 $0x180, s3  }
0xd: {  	s31 =	simm.s32 $0x2;
	s18 =	simm.s32 $0x1EA80;
	s20 =	simm.s32 $0x1EB80  }
0xe: {  	s24 =	ssub.s32 $0x2, s0;
	s6 =	sand.u32 $0xC0, s5;
	s7 =	ssub.s32 s1, s4  }
0xf: {  	s11 =	smul.u32 $0x30E0, s0;
	s6 =	sshrl.u32 s6, $0x6;
	s8 =	sand.u32 $0xFFE0, s7  }
0x10: {  	p5 =	slt.s32 s5, $0x1;
	s6 =	sadd.s32 s6, s5;
	p6 =	sne.s32 s8, $0x0  }
0x11: {  	s22 =	sshrl.u32 s6, $0x2;
	s23 =	sshll.u32 s7, $0x10;
	p0 =	por !p5, !p6  }
0x12: {  	s6 =	simm.s32 $0x1;
	s7 =	sshra.s32 s23, $0x10;
	p0 =	por !p0, !p0  }
0x13: {  	s8 =	sadd.s32 $0x180, s7;
	s6 =	simm.s32 @!p0 $0x0;
	p0 =	slt.s32 s7, $0x0  }
0x14: {  	s10 =	sshrl.u32 s24, $0x1;
	s5 =	ssub.s32 s22, s6;
	s7 =	smov.u32 @p0 s8  }
0x15: {  	s2 =	rddreg [dreg:$0x0];
	s5 =	smul.u32 $0x240000, s5;
	s7 =	sshrl.u32 s7, $0x3  }
0x16: {  	s10 =	ssub.s32 s24, s10;
	s3 =	rddreg [dreg:$0x1];
	s7 =	smul.u32 $0xC00, s7  }
0x17: {  	s25 =	sadd.s32 s9, s11;
	s4 =	rddreg [dreg:$0x3];
	s6 =	simm.s32 $0x0  }
0x18: {  	s28 =	smax.u32 s10, $0x1;
	[smem:$0x7FF] =	sst s6;
	s5 =	sadd.s32 s7, s5  }
0x19: {  	_ =	strace $0x80000047;
	[dreg:$0x5] =	wrdreg s25;
	s5 =	sshrl.u32 s5, $0x3  }
0x1a: {  	[dreg:$0x8] =	wrdreg s28;
	s26 =	sadd.s32 s2, s5;
	s5 =	sadd.s32 s3, s5  }
0x1b: {  	s11 =	simm.s32 $0x0;
	s10 =	simm.s32 $0x1EC80;
	[dreg:$0x7] =	wrdreg s5  }
0x1c: {  	s23 =	simm.s32 $0x3;
	s29 =	sadd.s32 $0x80, s26;
	[dreg:$0x6] =	wrdreg s26  }
0x1d: {  	s7 =	smul.u32 $0x48000, s0;
	s30 =	sadd.s32 $0x100, s26;
	[dreg:$0x9] =	wrdreg s29  }
0x1e: {  	s8 =	simm.s32 $0x1;
	s0 =	sadd.s32 $0x24000, s26;
	[dreg:$0xa] =	wrdreg s30  }
0x1f: {  	s12 =	sadd.s32 $0x24000, s7;
	s5 =	simm.s32 $0x4;
	[dreg:$0xb] =	wrdreg s0  }
.LBB2_1:
0x20: {  	[dreg:$0xc] =	wrdreg s11  }
0x21: {  	s0 =	rddreg [dreg:$0x5];
	s17 =	simm.s32 $0x7  }
0x22: {  	[tilespmem:s6], [sflag:$0x7] =	stream.linear.gather [hbm4b:s0+s6], $0x18700, $0x38;
	[tilespmem:$0x1ED00] =	vst v63  }
0x23: {  	_ =	swait.ge [sflag:s17], $0x18700  }
0x24: {  	[sflag:s17] =	ssyncset.done $0x0  }
0x25: {  	s9 =	simm.s32 $0x18700;
	s19 =	rddreg [dreg:$0x6];
	[sflag:s17] =	ssyncadd.s32 $0xFFFE7900  }
0x26: {  	[tilespmem:s9], [sflag:$0x1] =	stream.strided.gather [hbm4b:s19+s15], $0x400, s16, s15, $0x38;
	[tilespmem:$0x1ED00] =	vst v63  }
0x27: {  	s22 =	simm.s32 $0x18B00;
	s21 =	rddreg [dreg:$0x9]  }
0x28: {  	[tilespmem:s22], [sflag:$0x1] =	stream.strided.gather [hbm4b:s21+s15], $0x400, s16, s15, $0x38;
	[tilespmem:$0x1ED00] =	vst v63  }
0x29: {  	s25 =	simm.s32 $0x18F00;
	s24 =	rddreg [dreg:$0xa]  }
0x2a: {  	[tilespmem:s25], [sflag:$0x1] =	stream.strided.gather [hbm4b:s24+s15], $0x400, s16, s15, $0x38;
	[tilespmem:$0x1ED00] =	vst v63  }
0x2b: {  	s28 =	simm.s32 $0x19300;
	s26 =	rddreg [dreg:$0xb]  }
0x2c: {  	[tilespmem:s28], [sflag:$0x1] =	stream.strided.gather [hbm4b:s26+s15], $0x400, s16, s15, $0x38;
	[tilespmem:$0x1ED00] =	vst v63  }
0x2d: {  	s30 =	simm.s32 $0x19700;
	s29 =	sadd.s32 $0x80, s26  }
0x2e: {  	[tilespmem:s30], [sflag:$0x1] =	stream.strided.gather [hbm4b:s29+s15], $0x400, s16, s15, $0x38;
	[tilespmem:$0x1ED00] =	vst v63  }
0x2f: {  	s14 =	simm.s32 $0x19B00;
	s13 =	sadd.s32 $0x100, s26  }
0x30: {  	[tilespmem:s14], [sflag:$0x1] =	stream.strided.gather [hbm4b:s13+s15], $0x400, s16, s15, $0x38;
	[tilespmem:$0x1ED00] =	vst v63  }
0x31: {  	s17 =	rddreg [dreg:$0x7];
	s19 =	simm.s32 $0x1B700  }
0x32: {  	[tilespmem:s19], [sflag:$0x3] =	stream.strided.gather [hbm4b:s17+s15], $0x400, s16, s15, $0x38;
	[tilespmem:$0x1ED00] =	vst v63  }
0x33: {  	s21 =	sadd.s32 $0x80, s17;
	s22 =	simm.s32 $0x1BB00  }
0x34: {  	[tilespmem:s22], [sflag:$0x3] =	stream.strided.gather [hbm4b:s21+s15], $0x400, s16, s15, $0x38;
	[tilespmem:$0x1ED00] =	vst v63  }
0x35: {  	s24 =	sadd.s32 $0x100, s17;
	s25 =	simm.s32 $0x1BF00  }
0x36: {  	[tilespmem:s25], [sflag:$0x3] =	stream.strided.gather [hbm4b:s24+s15], $0x400, s16, s15, $0x38;
	[tilespmem:$0x1ED00] =	vst v63  }
0x37: {  	s26 =	sadd.s32 $0x24000, s17;
	s28 =	simm.s32 $0x1C300  }
0x38: {  	[tilespmem:s28], [sflag:$0x3] =	stream.strided.gather [hbm4b:s26+s15], $0x400, s16, s15, $0x38;
	[tilespmem:$0x1ED00] =	vst v63  }
0x39: {  	s29 =	simm.s32 $0x1C700;
	s14 =	sadd.s32 $0x80, s26  }
0x3a: {  	[tilespmem:s29], [sflag:$0x3] =	stream.strided.gather [hbm4b:s14+s15], $0x400, s16, s15, $0x38;
	[tilespmem:$0x1ED00] =	vst v63  }
0x3b: {  	s11 =	sadd.s32 $0x100, s26;
	s30 =	simm.s32 $0x1CB00;
	s14 =	simm.s32 $0x0  }
0x3c: {  	[tilespmem:s30], [sflag:$0x3] =	stream.strided.gather [hbm4b:s11+s15], $0x400, s16, s15, $0x38;
	[tilespmem:$0x1ED00] =	vst v63  }
.LBB2_2:
0x3d: {  	s11 =	sshll.u32 s14, $0x1  }
0x3e: {  	s19 =	sadd.s32 s1, s11  }
0x3f: {  	s11 =	sshra.s32 s19, $0x1F  }
0x40: {  	s17 =	sor.u32 $0x1, s19;
	s21 =	smul.u32 $0x2AAAAAAB, s11  }
0x41: {  	s22 =	smulhi.u32 $0x2AAAAAAB, s17;
	_ =	sdelay $0x1  }
0x42: {  	s22 =	sadd.s32 s21, s22  }
0x43: {  	s24 =	sshrl.u32 s22, $0x1F;
	s22 =	sshra.s32 s22, $0x6  }
0x44: {  	s22 =	sadd.s32 s24, s22  }
0x45: {  	s24 =	smul.u32 $0xFFFFFE80, s22  }
0x46: {  	s25 =	sxor.u32 $0xFFFFFFFF, s19  }
0x47: {  	s25 =	sshrl.u32 s25, $0x1F;
	s24 =	sadd.s32 s17, s24  }
0x48: {  	s11 =	sadd.s32 s25, s11;
	p0 =	slt.s32 s24, $0x0;
	s17 =	sadd.s32 $0x180, s24  }
0x49: {  	s24 =	smov.u32 @p0 s17;
	p0 =	sne.s32 s11, $0x1;
	s11 =	simm.s32 $0x1  }
0x4a: {  	s11 =	simm.s32 @!p0 $0x0;
	s13 =	sshrl.u32 s24, $0x3  }
0x4b: {  	s17 =	ssub.s32 s22, s11;
	s22 =	smul.u32 $0xC00, s13  }
0x4c: {  	s26 =	smul.u32 $0x240000, s17  }
0x4d: {  	s0 =	sshll.u32 s24, $0x7  }
0x4e: {  	s11 =	sand.u32 $0x380, s0;
	s9 =	sadd.s32 s22, s26  }
0x4f: {  	s24 =	sor.u32 s11, s9  }
0x50: {  	s24 =	sshrl.u32 s24, $0x3  }
0x51: {  	s0 =	simm.s32 $0x19F00;
	s25 =	sadd.s32 s2, s24  }
0x52: {  	[tilespmem:s0], [sflag:$0x2] =	stream.strided.gather [hbm4b:s25+s15], $0x400, s16, s15, $0x38;
	[tilespmem:$0x1ED00] =	vst v63  }
0x53: {  	s13 =	simm.s32 $0x1A300;
	s26 =	sadd.s32 $0x80, s25  }
0x54: {  	[tilespmem:s13], [sflag:$0x2] =	stream.strided.gather [hbm4b:s26+s15], $0x400, s16, s15, $0x38;
	[tilespmem:$0x1ED00] =	vst v63  }
0x55: {  	s9 =	sadd.s32 $0x100, s25;
	s13 =	simm.s32 $0x1A700  }
0x56: {  	[tilespmem:s13], [sflag:$0x2] =	stream.strided.gather [hbm4b:s9+s15], $0x400, s16, s15, $0x38;
	[tilespmem:$0x1ED00] =	vst v63  }
0x57: {  	s25 =	sadd.s32 $0x24000, s25;
	s26 =	simm.s32 $0x1AB00  }
0x58: {  	[tilespmem:s26], [sflag:$0x2] =	stream.strided.gather [hbm4b:s25+s15], $0x400, s16, s15, $0x38;
	[tilespmem:$0x1ED00] =	vst v63  }
0x59: {  	s9 =	sadd.s32 $0x80, s25;
	s13 =	simm.s32 $0x1AF00  }
0x5a: {  	[tilespmem:s13], [sflag:$0x2] =	stream.strided.gather [hbm4b:s9+s15], $0x400, s16, s15, $0x38;
	[tilespmem:$0x1ED00] =	vst v63  }
0x5b: {  	s25 =	sadd.s32 $0x100, s25;
	s26 =	simm.s32 $0x1B300  }
0x5c: {  	[tilespmem:s26], [sflag:$0x2] =	stream.strided.gather [hbm4b:s25+s15], $0x400, s16, s15, $0x38;
	[tilespmem:$0x1ED00] =	vst v63  }
0x5d: {  	s24 =	sadd.s32 s3, s24;
	s9 =	simm.s32 $0x1CF00  }
0x5e: {  	[tilespmem:s9], [sflag:$0x4] =	stream.strided.gather [hbm4b:s24+s15], $0x400, s16, s15, $0x38;
	[tilespmem:$0x1ED00] =	vst v63  }
0x5f: {  	s13 =	sadd.s32 $0x80, s24;
	s26 =	simm.s32 $0x1D300  }
0x60: {  	[tilespmem:s26], [sflag:$0x4] =	stream.strided.gather [hbm4b:s13+s15], $0x400, s16, s15, $0x38;
	[tilespmem:$0x1ED00] =	vst v63  }
0x61: {  	s9 =	sadd.s32 $0x100, s24;
	s13 =	simm.s32 $0x1D700  }
0x62: {  	[tilespmem:s13], [sflag:$0x4] =	stream.strided.gather [hbm4b:s9+s15], $0x400, s16, s15, $0x38;
	[tilespmem:$0x1ED00] =	vst v63  }
0x63: {  	s24 =	sadd.s32 $0x24000, s24;
	s26 =	simm.s32 $0x1DB00  }
0x64: {  	[tilespmem:s26], [sflag:$0x4] =	stream.strided.gather [hbm4b:s24+s15], $0x400, s16, s15, $0x38;
	[tilespmem:$0x1ED00] =	vst v63  }
0x65: {  	s9 =	sadd.s32 $0x80, s24;
	s13 =	simm.s32 $0x1DF00  }
0x66: {  	[tilespmem:s13], [sflag:$0x4] =	stream.strided.gather [hbm4b:s9+s15], $0x400, s16, s15, $0x38;
	[tilespmem:$0x1ED00] =	vst v63  }
0x67: {  	s24 =	sadd.s32 $0x100, s24;
	s26 =	simm.s32 $0x1E300  }
0x68: {  	[tilespmem:s26], [sflag:$0x4] =	stream.strided.gather [hbm4b:s24+s15], $0x400, s16, s15, $0x38;
	[tilespmem:$0x1ED00] =	vst v63  }
0x69: {  	_ =	swait.ge [sflag:s8], $0x1800  }
0x6a: {  	[sflag:s8] =	ssyncset.done $0x0  }
0x6b: {  	[sflag:s8] =	ssyncadd.s32 $0xFFFFE800  }
0x6c: {  	_ =	swait.ge [sflag:s23], $0x1800  }
0x6d: {  	p0 =	seq.s32 s14, $0x0;
	[sflag:s23] =	ssyncset.done $0x0  }
0x6e: {  	s24 =	simm.s32 @!p0 $0x5;
	[sflag:s23] =	ssyncadd.s32 $0xFFFFE800  }
0x6f: {  	_ =	swait.ge @!p0 [sflag:s24], $0x180  }
0x70: {  	[sflag:s24] =	ssyncset.done @!p0 $0x0  }
0x71: {  	[sflag:s24] =	ssyncadd.s32 @!p0 $0xFFFFFE80  }
0x72: {  	s9 =	simm.s32 $0x0;
	_ =	swait.ge @!p0 [sflag:s24], $0x180  }
0x73: {  	s13 =	sand.u32 $0x70, s9;
	s25 =	sand.u32 $0x7FFFFC00, s9;
	[sflag:s24] =	ssyncset.done @!p0 $0x0  }
0x74: {  	s29 =	sor.u32 s13, s25;
	[sflag:s24] =	ssyncadd.s32 @!p0 $0xFFFFFE80  }
0x75: {  	v1 =	vld [tilespmem:s29+$0x18700]  }
0x76: {  	s28 =	simm.s32 $0x10;
	s30 =	sshrl.u32 s25, $0x2;
	v0 =	vld [tilespmem:s29+$0x1B700]  }
0x77: {  	s25 =	simm.s32 $0x80;
	s26 =	sor.u32 s13, s30;
	s30 =	simm.s32 $0x100  }
0x78: {  	s24 =	sand.u32 $0x70, s28;
	s28 =	simm.s32 $0x20;
	s29 =	sadd.s32 $0x1E700, s26  }
.LBB2_3:
0x79: {  	s0 =	sand.u32 $0x70, s28  }
0x7a: {  	s9 =	sand.u32 $0x7FFFFC00, s25;
	[tilespmem:s29+$0x80] =	vst v1;
	s25 =	smov.u32 s30;
	s13 =	sadd.s32 $0x80, s30  }
0x7b: {  	p1 =	sne.s32 s30, $0xB80;
	s29 =	sor.u32 s24, s9;
	s9 =	sshrl.u32 s9, $0x2;
	[tilespmem:s26+$0x1E700] =	vst v0  }
.Ltmp0:
0x7c: {  	v1 =	vld [tilespmem:s29+$0x18700];
	s26 =	sor.u32 s24, s9;
	s24 =	smov.u32 s0;
	(pc) =	sbr.rel @p1 .LBB2_3-.Ltmp0, $2  }
0x7d: {  	v0 =	vld [tilespmem:s29+$0x1B700];
	_ =	sdelay $0x2  }
0x7e: {  	s28 =	sadd.s32 $0x10, s28;
	s30 =	smov.u32 s13;
	s29 =	sadd.s32 $0x1E700, s26  }
0x7f: {  	s0 =	smulhi.u32 $0x2AAAAAAB, s19;
	_ =	sdelay $0x1  }
0x80: {  	s0 =	sadd.s32 s21, s0  }
0x81: {  	s9 =	sshrl.u32 s0, $0x1F;
	s0 =	sshra.s32 s0, $0x6  }
0x82: {  	s0 =	sadd.s32 s9, s0  }
0x83: {  	s9 =	smul.u32 $0xFFFFFE80, s0;
	_ =	sdelay $0x1  }
0x84: {  	s9 =	sadd.s32 s19, s9  }
0x85: {  	p1 =	slt.s32 s19, $0x1;
	p2 =	sne.s32 s9, $0x0  }
0x86: {  	p1 =	por !p1, !p2  }
0x87: {  	s13 =	simm.s32 $0x1;
	p1 =	por !p1, !p1  }
0x88: {  	s21 =	sadd.s32 $0x180, s9;
	s13 =	simm.s32 @!p1 $0x0;
	p1 =	slt.s32 s9, $0x0  }
0x89: {  	[tilespmem:s29+$0x80] =	vst v1;
	s28 =	sand.u32 $0x7FFFFC00, s25;
	s0 =	ssub.s32 s0, s13;
	s9 =	smov.u32 @p1 s21  }
0x8a: {  	s29 =	sor.u32 s24, s28;
	[tilespmem:s26+$0x1E700] =	vst v0;
	s30 =	sshrl.u32 s9, $0x3;
	s0 =	smul.u32 $0x90000, s0  }
0x8b: {  	v1 =	vld [tilespmem:s29+$0x1B700];
	s25 =	smul.u32 $0xC00, s30  }
0x8c: {  	v0 =	vld [tilespmem:s29+$0x18700]  }
0x8d: {  	s9 =	sshll.u32 s9, $0x7;
	s0 =	sadd.s32 s25, s0  }
0x8e: {  	s13 =	sshrl.u32 s28, $0x2;
	s9 =	sand.u32 $0x300, s9;
	s25 =	sadd.s32 s7, s0  }
0x8f: {  	s13 =	sor.u32 s24, s13;
	s21 =	sor.u32 s9, s25  }
0x90: {  	s24 =	sadd.s32 $0x1E700, s13;
	[tilespmem:s13+$0x1E700] =	vst v1;
	s21 =	sshrl.u32 s21, $0x3  }
0x91: {  	s28 =	simm.s32 $0x1E700;
	[tilespmem:s24+$0x80] =	vst v0;
	s0 =	sadd.s32 s12, s0;
	s26 =	sadd.s32 s4, s21  }
0x92: {  	[hbm4b:s26+s6] =	stream.linear.scatter [tilespmem:s28], [sflag:$0x5], $0x80, $0x38;
	[tilespmem:$0x1ED00] =	vst v63  }
0x93: {  	s30 =	simm.s32 $0x1E800;
	s0 =	sor.u32 s9, s0;
	s29 =	sadd.s32 $0x80, s26  }
0x94: {  	[hbm4b:s29+s6] =	stream.linear.scatter [tilespmem:s30], [sflag:$0x5], $0x80, $0x38;
	[tilespmem:$0x1ED00] =	vst v63  }
0x95: {  	s25 =	simm.s32 $0x1E900;
	s0 =	sshrl.u32 s0, $0x3;
	s13 =	sadd.s32 $0x100, s26  }
0x96: {  	[hbm4b:s13+s6] =	stream.linear.scatter [tilespmem:s25], [sflag:$0x5], $0x80, $0x38;
	[tilespmem:$0x1ED00] =	vst v63  }
0x97: {  	p1 =	seq.s32 s14, $0x2F;
	s0 =	sadd.s32 s4, s0;
	s26 =	simm.s32 $0x1E780  }
0x98: {  	[hbm4b:s0+s6] =	stream.linear.scatter [tilespmem:s26], [sflag:$0x5], $0x80, $0x38;
	[tilespmem:$0x1ED00] =	vst v63  }
.Ltmp1:
0x99: {  	_ = 	snop;
	(pc) =	sbr.rel @p1 .LBB2_6-.Ltmp1, $4  }
0x9a: {  	s28 =	sadd.s32 $0x80, s0;
	s29 =	simm.s32 $0x1E880  }
0x9b: {  	[hbm4b:s28+s6] =	stream.linear.scatter [tilespmem:s29], [sflag:$0x5], $0x80, $0x38;
	[tilespmem:$0x1ED00] =	vst v63  }
0x9c: {  	s30 =	simm.s32 $0x1E980;
	s0 =	sadd.s32 $0x100, s0  }
0x9d: {  	[hbm4b:s0+s6] =	stream.linear.scatter [tilespmem:s30], [sflag:$0x5], $0x80, $0x38;
	[tilespmem:$0x1ED00] =	vst v63  }
0x9e: {  	s0 =	sadd.s32 $0x2, s19  }
0x9f: {  	s9 =	smulhi.u32 $0x2AAAAAAB, s0;
	s13 =	sshra.s32 s0, $0x1F  }
0xa0: {  	s13 =	smul.u32 $0x2AAAAAAB, s13;
	_ =	sdelay $0x1  }
0xa1: {  	s9 =	sadd.s32 s13, s9  }
0xa2: {  	s13 =	sshrl.u32 s9, $0x1F;
	s9 =	sshra.s32 s9, $0x6  }
0xa3: {  	s9 =	sadd.s32 s13, s9  }
0xa4: {  	s13 =	smul.u32 $0xFFFFFE80, s9;
	_ =	sdelay $0x1  }
0xa5: {  	s0 =	sadd.s32 s0, s13  }
0xa6: {  	p1 =	slt.s32 s19, $0xFFFFFFFF;
	p2 =	sne.s32 s0, $0x0  }
0xa7: {  	p1 =	por !p1, !p2  }
0xa8: {  	s13 =	simm.s32 $0x1;
	p1 =	por !p1, !p1  }
0xa9: {  	s19 =	sadd.s32 $0x180, s0;
	s13 =	simm.s32 @!p1 $0x0;
	p1 =	slt.s32 s0, $0x0  }
0xaa: {  	s9 =	ssub.s32 s9, s13;
	s0 =	smov.u32 @p1 s19  }
0xab: {  	s9 =	smul.u32 $0x240000, s9;
	s28 =	sshrl.u32 s0, $0x3  }
0xac: {  	s13 =	smul.u32 $0xC00, s28  }
0xad: {  	s0 =	sshll.u32 s0, $0x7  }
0xae: {  	s0 =	sand.u32 $0x380, s0;
	s9 =	sadd.s32 s13, s9  }
0xaf: {  	s0 =	sor.u32 s0, s9  }
0xb0: {  	s0 =	sshrl.u32 s0, $0x3  }
0xb1: {  	s30 =	simm.s32 $0x18700;
	s29 =	sadd.s32 s2, s0  }
0xb2: {  	[tilespmem:s30], [sflag:$0x1] =	stream.strided.gather [hbm4b:s29+s15], $0x400, s16, s15, $0x38;
	[tilespmem:$0x1ED00] =	vst v63  }
0xb3: {  	s21 =	simm.s32 $0x18B00;
	s19 =	sadd.s32 $0x80, s29  }
0xb4: {  	[tilespmem:s21], [sflag:$0x1] =	stream.strided.gather [hbm4b:s19+s15], $0x400, s16, s15, $0x38;
	[tilespmem:$0x1ED00] =	vst v63  }
0xb5: {  	s25 =	simm.s32 $0x18F00;
	s24 =	sadd.s32 $0x100, s29  }
0xb6: {  	[tilespmem:s25], [sflag:$0x1] =	stream.strided.gather [hbm4b:s24+s15], $0x400, s16, s15, $0x38;
	[tilespmem:$0x1ED00] =	vst v63  }
0xb7: {  	s26 =	simm.s32 $0x19300;
	s9 =	sadd.s32 $0x24000, s29  }
0xb8: {  	[tilespmem:s26], [sflag:$0x1] =	stream.strided.gather [hbm4b:s9+s15], $0x400, s16, s15, $0x38;
	[tilespmem:$0x1ED00] =	vst v63  }
0xb9: {  	s29 =	simm.s32 $0x19700;
	s28 =	sadd.s32 $0x80, s9  }
0xba: {  	[tilespmem:s29], [sflag:$0x1] =	stream.strided.gather [hbm4b:s28+s15], $0x400, s16, s15, $0x38;
	[tilespmem:$0x1ED00] =	vst v63  }
0xbb: {  	s30 =	simm.s32 $0x19B00;
	s9 =	sadd.s32 $0x100, s9  }
0xbc: {  	[tilespmem:s30], [sflag:$0x1] =	stream.strided.gather [hbm4b:s9+s15], $0x400, s16, s15, $0x38;
	[tilespmem:$0x1ED00] =	vst v63  }
0xbd: {  	s13 =	simm.s32 $0x1B700;
	s0 =	sadd.s32 s3, s0  }
0xbe: {  	[tilespmem:s13], [sflag:$0x3] =	stream.strided.gather [hbm4b:s0+s15], $0x400, s16, s15, $0x38;
	[tilespmem:$0x1ED00] =	vst v63  }
0xbf: {  	s19 =	sadd.s32 $0x80, s0;
	s21 =	simm.s32 $0x1BB00  }
0xc0: {  	[tilespmem:s21], [sflag:$0x3] =	stream.strided.gather [hbm4b:s19+s15], $0x400, s16, s15, $0x38;
	[tilespmem:$0x1ED00] =	vst v63  }
0xc1: {  	s24 =	sadd.s32 $0x100, s0;
	s25 =	simm.s32 $0x1BF00  }
0xc2: {  	[tilespmem:s25], [sflag:$0x3] =	stream.strided.gather [hbm4b:s24+s15], $0x400, s16, s15, $0x38;
	[tilespmem:$0x1ED00] =	vst v63  }
0xc3: {  	s26 =	simm.s32 $0x1C300;
	s0 =	sadd.s32 $0x24000, s0  }
0xc4: {  	[tilespmem:s26], [sflag:$0x3] =	stream.strided.gather [hbm4b:s0+s15], $0x400, s16, s15, $0x38;
	[tilespmem:$0x1ED00] =	vst v63  }
0xc5: {  	s29 =	simm.s32 $0x1C700;
	s28 =	sadd.s32 $0x80, s0  }
0xc6: {  	[tilespmem:s29], [sflag:$0x3] =	stream.strided.gather [hbm4b:s28+s15], $0x400, s16, s15, $0x38;
	[tilespmem:$0x1ED00] =	vst v63  }
0xc7: {  	s30 =	simm.s32 $0x1CB00;
	s0 =	sadd.s32 $0x100, s0  }
0xc8: {  	[tilespmem:s30], [sflag:$0x3] =	stream.strided.gather [hbm4b:s0+s15], $0x400, s16, s15, $0x38;
	[tilespmem:$0x1ED00] =	vst v63  }
.LBB2_6:
0xc9: {  	_ =	swait.ge [sflag:s31], $0x1800  }
0xca: {  	[sflag:s31] =	ssyncset.done $0x0  }
0xcb: {  	[sflag:s31] =	ssyncadd.s32 $0xFFFFE800  }
0xcc: {  	_ =	swait.ge [sflag:s5], $0x1800  }
0xcd: {  	[sflag:s5] =	ssyncset.done $0x0  }
0xce: {  	s0 =	simm.s32 @!p0 $0x6;
	[sflag:s5] =	ssyncadd.s32 $0xFFFFE800  }
0xcf: {  	_ =	swait.ge @!p0 [sflag:s0], $0x180  }
0xd0: {  	[sflag:s0] =	ssyncset.done @!p0 $0x0  }
0xd1: {  	[sflag:s0] =	ssyncadd.s32 @!p0 $0xFFFFFE80  }
0xd2: {  	s9 =	simm.s32 $0x0;
	_ =	swait.ge @!p0 [sflag:s0], $0x180  }
0xd3: {  	s13 =	sand.u32 $0x70, s9;
	s9 =	sand.u32 $0x7FFFFC00, s9;
	[sflag:s0] =	ssyncset.done @!p0 $0x0  }
0xd4: {  	s25 =	sor.u32 s13, s9;
	[sflag:s0] =	ssyncadd.s32 @!p0 $0xFFFFFE80  }
0xd5: {  	v1 =	vld [tilespmem:s25+$0x19F00]  }
0xd6: {  	s29 =	simm.s32 $0x10;
	v0 =	vld [tilespmem:s25+$0x1CF00]  }
0xd7: {  	s21 =	simm.s32 $0x80;
	s26 =	simm.s32 $0x100;
	s30 =	sshrl.u32 s9, $0x2  }
0xd8: {  	s19 =	sand.u32 $0x70, s29;
	s24 =	sor.u32 s13, s30;
	s25 =	simm.s32 $0x20  }
.LBB2_7:
0xd9: {  	s0 =	sand.u32 $0x70, s25  }
0xda: {  	s9 =	sand.u32 $0x7FFFFC00, s21;
	[tilespmem:s24+$0x1EA80] =	vst v1;
	s21 =	smov.u32 s26;
	s13 =	sadd.s32 $0x80, s26  }
0xdb: {  	p0 =	sne.s32 s26, $0xB80;
	s26 =	sor.u32 s19, s9;
	s9 =	sshrl.u32 s9, $0x2;
	[tilespmem:s24+$0x1EA00] =	vst v0  }
.Ltmp2:
0xdc: {  	v1 =	vld [tilespmem:s26+$0x19F00];
	s24 =	sor.u32 s19, s9;
	s19 =	smov.u32 s0;
	(pc) =	sbr.rel @p0 .LBB2_7-.Ltmp2, $2  }
0xdd: {  	v0 =	vld [tilespmem:s26+$0x1CF00];
	_ =	sdelay $0x2  }
0xde: {  	s25 =	sadd.s32 $0x10, s25;
	s26 =	smov.u32 s13  }
0xdf: {  	s0 =	sand.u32 $0x7FFFFC00, s21;
	[tilespmem:s24+$0x1EA80] =	vst v1  }
0xe0: {  	s9 =	sor.u32 s19, s0;
	[tilespmem:s24+$0x1EA00] =	vst v0  }
0xe1: {  	v0 =	vld [tilespmem:s9+$0x19F00]  }
0xe2: {  	v1 =	vld [tilespmem:s9+$0x1CF00]  }
0xe3: {  	s30 =	smul.u32 $0x90000, s17;
	s13 =	sadd.s32 s7, s22  }
0xe4: {  	s0 =	sshrl.u32 s0, $0x2;
	s13 =	sor.u32 s11, s13  }
0xe5: {  	s0 =	sor.u32 s19, s0;
	s13 =	sadd.s32 s30, s13  }
0xe6: {  	s13 =	sshrl.u32 s13, $0x3;
	[tilespmem:s0+$0x1EA80] =	vst v0  }
0xe7: {  	s24 =	simm.s32 $0x1EA00;
	s21 =	sadd.s32 s4, s13;
	[tilespmem:s0+$0x1EA00] =	vst v1  }
0xe8: {  	[hbm4b:s21+s6] =	stream.linear.scatter [tilespmem:s24], [sflag:$0x6], $0x80, $0x38;
	[tilespmem:$0x1ED00] =	vst v63  }
0xe9: {  	s26 =	simm.s32 $0x1EB00;
	s25 =	sadd.s32 $0x80, s21  }
0xea: {  	[hbm4b:s25+s6] =	stream.linear.scatter [tilespmem:s26], [sflag:$0x6], $0x80, $0x38;
	[tilespmem:$0x1ED00] =	vst v63  }
0xeb: {  	s28 =	simm.s32 $0x1EC00;
	s29 =	sadd.s32 s12, s22;
	s0 =	sadd.s32 $0x100, s21  }
0xec: {  	[hbm4b:s0+s6] =	stream.linear.scatter [tilespmem:s28], [sflag:$0x6], $0x80, $0x38;
	[tilespmem:$0x1ED00] =	vst v63  }
0xed: {  	s0 =	sor.u32 s11, s29  }
0xee: {  	s0 =	sadd.s32 s30, s0  }
0xef: {  	s14 =	sadd.s32 $0x1, s14;
	s0 =	sshrl.u32 s0, $0x3  }
0xf0: {  	p0 =	sne.s32 s14, $0x30;
	s0 =	sadd.s32 s4, s0  }
0xf1: {  	[hbm4b:s0+s6] =	stream.linear.scatter [tilespmem:s18], [sflag:$0x6], $0x80, $0x38;
	[tilespmem:$0x1ED00] =	vst v63  }
.Ltmp3:
0xf2: {  	_ = 	snop;
	(pc) =	sbr.rel @p0 .LBB2_2-.Ltmp3, $4  }
0xf3: {  	s30 =	sadd.s32 $0x80, s0  }
0xf4: {  	[hbm4b:s30+s6] =	stream.linear.scatter [tilespmem:s20], [sflag:$0x6], $0x80, $0x38;
	[tilespmem:$0x1ED00] =	vst v63  }
0xf5: {  	s0 =	sadd.s32 $0x100, s0  }
0xf6: {  	[hbm4b:s0+s6] =	stream.linear.scatter [tilespmem:s10], [sflag:$0x6], $0x80, $0x38;
	[tilespmem:$0x1ED00] =	vst v63  }
0xf7: {  	s0 =	simm.s32 $0x5  }
0xf8: {  	_ =	swait.ge [sflag:s0], $0x180  }
0xf9: {  	[sflag:s0] =	ssyncset.done $0x0  }
0xfa: {  	[sflag:s0] =	ssyncadd.s32 $0xFFFFFE80  }
0xfb: {  	_ =	swait.ge [sflag:s0], $0x180  }
0xfc: {  	[sflag:s0] =	ssyncset.done $0x0  }
0xfd: {  	s9 =	simm.s32 $0x6;
	[sflag:s0] =	ssyncadd.s32 $0xFFFFFE80  }
0xfe: {  	_ =	swait.ge [sflag:s9], $0x180  }
0xff: {  	[sflag:s9] =	ssyncset.done $0x0  }
0x100: {  	[sflag:s9] =	ssyncadd.s32 $0xFFFFFE80  }
0x101: {  	_ =	swait.ge [sflag:s9], $0x180  }
0x102: {  	s11 =	rddreg [dreg:$0xc]  }
0x103: {  	s30 =	rddreg [dreg:$0x8];
	s11 =	sadd.s32 $0x1, s11  }
0x104: {  	p0 =	sne.s32 s11, s30  }
.Ltmp4:
0x105: {  	_ = 	snop;
	(pc) =	sbr.rel @p0 .LBB2_1-.Ltmp4, $3  }
0x106: {  	_ =	sdelay $0x1  }
0x107: {  	[sflag:s9] =	ssyncset.done $0x0  }
0x108: {  	[sflag:s9] =	ssyncadd.s32 $0xFFFFFE80  }
0x109: {  	_ =	sfence.sel $0x180000  }
0x10a: {  	[bflag:$0x0] =	sbarrier.arrive $0xFFFF  }
0x10b: {  	_ =	strace $0x90000047  }
0x10c: {  	s0 =	stileid.u32;
	[bflag:$0x2] =	sbarrier.arrive $0xFFFF  }
0x10d: {  	p0 =	sne.s32 s0, $0x0;
	s0 =	rddreg [dreg:$0x4]  }
0x10e: {  	s0 =	sadd.s32 @!p0 $0x100000, s0  }
0x10f: {  	[sflag:s0] =	ssyncadd.tile.s32 @!p0 $0x1;
	_ =	shalt  }
.Lfunc_end2:
_tile_overlayer_lowered:
.L_overlay_start_2:
0x110: {  	(tag) =	ssettag $0x2  }
0x111: {  	s0 =	rddreg [dreg:$0x0];
	s2 =	stileid.u32  }
0x112: {  	s1 =	rddreg [dreg:$0x1];
	p0 =	sne.s32 s2, $0x0  }
0x113: {  	s3 =	rddreg [dreg:$0x2];
	[bflag:$0x3] =	sbarrier.arrive $0xFFFF;
	s2 =	simm.s32 @!p0 $0x1C07  }
0x114: {  	[timem:s3], [sflag:s2] =	dma.local @!p0 [hbm:s0], s1  }
0x115: {  	s0 =	simm.s32 @!p0 $0x7  }
0x116: {  	_ =	swait.ge @!p0 [sflag:s0], s1  }
0x117: {  	s1 =	ssub.s32 @!p0 $0x0, s1;
	[sflag:s0] =	ssyncset.done @!p0 $0x0  }
0x118: {  	[sflag:s0] =	ssyncadd.s32 @!p0 s1  }
0x119: {  	[bflag:$0x3] =	sbarrier.arrive $0xFFFF  }
0x11a: {  	_ =	shalt  }

</sc_bundles>
